<compile_context>
chip_gen: v7x
topology: tpu7x:2x2x1
jax: 0.10.2.dev20260603
libtpu: 0.0.44.dev20260713+nightly
codegen_flags: <defaults>
</compile_context>

<pallas_src>
import functools

import jax
import jax.numpy as jnp
from jax import lax
from jax.experimental import pallas as pl
from jax.experimental.pallas import tpu as pltpu
from jax.experimental.pallas import tpu_sc as plsc

B, S, D, V = 4096, 200, 128, 100000
NC, NS, L = 2, 16, 16
NW = NC * NS
BPW = B // NW
SPLIT = 104


def _emb_body(ids_hbm, pos_hbm, table_hbm, out_hbm,
              pos_v, idx0, idx1, g0, g1, o0, o1,
              isem0, isem1, gsem0, gsem1, osem0, osem1):
    idxs = (idx0, idx1)
    gb = (g0, g1)
    ob = (o0, o1)
    isems = (isem0, isem1)
    gsems = (gsem0, gsem1)
    osems = (osem0, osem1)

    wid = lax.axis_index("s") * NC + lax.axis_index("c")
    b0 = wid * BPW
    pltpu.sync_copy(pos_hbm.at[0], pos_v)

    def idx_start(k, b):
        pltpu.async_copy(ids_hbm.at[b], idxs[k], isems[k])

    def idx_wait(k):
        pltpu.make_async_copy(ids_hbm.at[b0], idxs[k], isems[k]).wait()

    def gather_start(k):
        pltpu.async_copy(table_hbm.at[idxs[k].at[pl.ds(0, SPLIT)]],
                         gb[k].at[pl.ds(0, SPLIT)], gsems[k])
        pltpu.async_copy(table_hbm.at[idxs[k].at[pl.ds(SPLIT, S - SPLIT)]],
                         gb[k].at[pl.ds(SPLIT, S - SPLIT)], gsems[k])

    def gather_wait(k):
        pltpu.make_async_copy(table_hbm.at[idxs[k].at[pl.ds(0, SPLIT)]],
                              gb[k].at[pl.ds(0, SPLIT)], gsems[k]).wait()
        pltpu.make_async_copy(table_hbm.at[idxs[k].at[pl.ds(SPLIT, S - SPLIT)]],
                              gb[k].at[pl.ds(SPLIT, S - SPLIT)], gsems[k]).wait()

    def out_start(k, b):
        pltpu.async_copy(ob[k], out_hbm.at[b], osems[k])

    def out_wait(k):
        pltpu.make_async_copy(ob[k], out_hbm.at[b0], osems[k]).wait()

    idx_start(0, b0)
    idx_wait(0)
    gather_start(0)
    idx_start(1, b0 + 1)

    def iter_body(i, k):
        k2 = 1 - k

        def start_next_gather():
            idx_wait(k2)
            gather_start(k2)
        pl.when(i + 1 < BPW)(start_next_gather)

        gather_wait(k)

        def prefetch_idx():
            idx_start(k, b0 + i + 2)
        pl.when(i + 2 < BPW)(prefetch_idx)

        def drain_out():
            out_wait(k)
        pl.when(i >= 2)(drain_out)

        @plsc.parallel_loop(0, S, unroll=4)
        def addrow(r):
            for p in range(D // L):
                sl = pl.ds(p * L, L)
                ob[k][r, sl] = gb[k][r, sl] + pos_v[r, sl]

        out_start(k, b0 + i)

    def outer(g, c):
        iter_body(2 * g, 0)
        iter_body(2 * g + 1, 1)
        return c

    lax.fori_loop(0, BPW // 2, outer, 0)
    out_wait(0)
    out_wait(1)


@jax.jit
def kernel(input_ids, table, pos_embed):
    mesh = plsc.VectorSubcoreMesh(core_axis_name="c", subcore_axis_name="s")
    return pl.kernel(
        _emb_body,
        mesh=mesh,
        out_type=jax.ShapeDtypeStruct((B, S, D), jnp.float32),
        scratch_types=[
            pltpu.VMEM((S, D), jnp.float32),
            pltpu.VMEM((S,), jnp.int32),
            pltpu.VMEM((S,), jnp.int32),
            pltpu.VMEM((S, D), jnp.float32),
            pltpu.VMEM((S, D), jnp.float32),
            pltpu.VMEM((S, D), jnp.float32),
            pltpu.VMEM((S, D), jnp.float32),
            pltpu.SemaphoreType.DMA,
            pltpu.SemaphoreType.DMA,
            pltpu.SemaphoreType.DMA,
            pltpu.SemaphoreType.DMA,
            pltpu.SemaphoreType.DMA,
            pltpu.SemaphoreType.DMA,
        ],
    )(input_ids, pos_embed, table)

# --- scband reference (transcript-rebuilt; emitter-appended) ---
"""Pipeline reference for scband-embeddings-16655883174035 (READ-ONLY COPY).

The authoritative reference and input builder live on the scoring server;
editing this copy changes nothing except your own understanding.
"""

import jax, jax.numpy as jnp
import numpy as np

VOCAB = 100000
SEQ_LEN = 200
EMBED_DIM = 128
BATCH = 4096


def _positional_encoding(seq_len, embed_dim):
    enc = np.zeros((seq_len, embed_dim), dtype=np.float32)
    position_idx = np.arange(0, seq_len, dtype=np.float32).reshape(-1, 1)
    i = np.arange(0, embed_dim, 2, dtype=np.float32)
    enc[:, 0::2] = np.sin(position_idx / 10000 ** (2 * i / embed_dim))
    enc[:, 1::2] = np.cos(position_idx / 10000 ** (2 * i / embed_dim))
    return jnp.asarray(enc)[None, :, :]  # (1, seq_len, embed_dim)


def setup_inputs(seed: int = 0) -> dict:
    key = jax.random.key(seed)
    k_idx, k_tab = jax.random.split(key)
    input_ids = jax.random.randint(k_idx, (BATCH, SEQ_LEN), 0, VOCAB, dtype=jnp.int32)
    table = jax.random.normal(k_tab, (VOCAB, EMBED_DIM), dtype=jnp.float32) * 0.02
    pos_embed = _positional_encoding(SEQ_LEN, EMBED_DIM)
    return {"input_ids": input_ids, "table": table, "pos_embed": pos_embed}


def reference(input_ids, table, pos_embed):
    lin = jnp.take(table, input_ids, axis=0)  # (B, S, D) embedding gather
    return lin + pos_embed

if __name__ == "__main__":
    import jax
    _d = setup_inputs()
    print(jax.jit(kernel)(*tuple(_d.values())))

</pallas_src>

<mosaic_0001>
#map = affine_map<(d0, d1) -> (0, 0)>
#map1 = affine_map<(d0, d1) -> (0, 0, 0)>
module attributes {stable_mosaic.version = 14 : i64} {
  func.func @_emb_body(%arg0: i32, %arg1: i32, %arg2: memref<4096x200xi32, #tpu.memory_space<hbm>>, %arg3: memref<1x200x128xf32, #tpu.memory_space<hbm>>, %arg4: memref<100000x128xf32, #tpu.memory_space<hbm>>, %arg5: memref<4096x200x128xf32, #tpu.memory_space<hbm>>, %arg6: memref<200x128xf32, #tpu.memory_space<vmem>>, %arg7: memref<200xi32, #tpu.memory_space<vmem>>, %arg8: memref<200xi32, #tpu.memory_space<vmem>>, %arg9: memref<200x128xf32, #tpu.memory_space<vmem>>, %arg10: memref<200x128xf32, #tpu.memory_space<vmem>>, %arg11: memref<200x128xf32, #tpu.memory_space<vmem>>, %arg12: memref<200x128xf32, #tpu.memory_space<vmem>>, %arg13: memref<!tpu.dma_semaphore, #tpu.memory_space<semaphore_mem>>, %arg14: memref<!tpu.dma_semaphore, #tpu.memory_space<semaphore_mem>>, %arg15: memref<!tpu.dma_semaphore, #tpu.memory_space<semaphore_mem>>, %arg16: memref<!tpu.dma_semaphore, #tpu.memory_space<semaphore_mem>>, %arg17: memref<!tpu.dma_semaphore, #tpu.memory_space<semaphore_mem>>, %arg18: memref<!tpu.dma_semaphore, #tpu.memory_space<semaphore_mem>>) attributes {dimension_semantics = [#tpu.dimension_semantics<core_parallel>, #tpu.dimension_semantics<subcore_parallel>], iteration_bounds = array<i64: 2, 16>, scalar_prefetch = 0 : i64, scratch_operands = 13 : i64, tpu.core_type = #tpu.core_type<sc_vector_subcore>, window_params = [{transform_indices = #map}, {transform_indices = #map1}, {transform_indices = #map}, {transform_indices = #map1}]} {
    %mul3A = arith.constant 2 : i32
    %mul3A_0 = arith.muli %arg1, %mul3A : i32
    %add3A = arith.addi %mul3A_0, %arg0 : i32
    %mul3A_1 = arith.constant 128 : i32
    %mul3A_2 = arith.muli %add3A, %mul3A_1 : i32
    %run_scoped3A = arith.constant 0 : i32
    "tpu.region"() ({
      %run_scoped3A_58 = tpu.sem_alloc : memref<!tpu.dma_semaphore, #tpu.memory_space<semaphore_mem>>
      %dma_start3A_59 = arith.constant 0 : i32
      %dma_start3A_60 = arith.constant 0 : i32
      %dma_start3A_61 = tpu.memref_slice %arg3[%run_scoped3A, %dma_start3A_59, %dma_start3A_60] : memref<1x200x128xf32, #tpu.memory_space<hbm>> -> memref<1x200x128xf32, #tpu.memory_space<hbm>>
      %dma_start3A_62 = tpu.memref_squeeze %dma_start3A_61 : memref<1x200x128xf32, #tpu.memory_space<hbm>> -> memref<200x128xf32, #tpu.memory_space<hbm>>
      %dma_start3A_63 = arith.constant 0 : i32
      %dma_start3A_64 = arith.constant 0 : i32
      %dma_start3A_65 = tpu.memref_slice %arg3[%run_scoped3A, %dma_start3A_63, %dma_start3A_64] : memref<1x200x128xf32, #tpu.memory_space<hbm>> -> memref<1x200x128xf32, #tpu.memory_space<hbm>>
      %dma_start3A_66 = tpu.memref_squeeze %dma_start3A_65 : memref<1x200x128xf32, #tpu.memory_space<hbm>> -> memref<200x128xf32, #tpu.memory_space<hbm>>
      tpu.enqueue_dma source(%dma_start3A_66 : memref<200x128xf32, #tpu.memory_space<hbm>>) target(%arg6 : memref<200x128xf32, #tpu.memory_space<vmem>>) target_semaphore(%run_scoped3A_58 : memref<!tpu.dma_semaphore, #tpu.memory_space<semaphore_mem>>)
      %dma_wait3A_67 = arith.constant 0 : i32
      %dma_wait3A_68 = arith.constant 0 : i32
      %dma_wait3A_69 = tpu.memref_slice %arg3[%run_scoped3A, %dma_wait3A_67, %dma_wait3A_68] : memref<1x200x128xf32, #tpu.memory_space<hbm>> -> memref<1x200x128xf32, #tpu.memory_space<hbm>>
      %dma_wait3A_70 = tpu.memref_squeeze %dma_wait3A_69 : memref<1x200x128xf32, #tpu.memory_space<hbm>> -> memref<200x128xf32, #tpu.memory_space<hbm>>
      %dma_wait3A_71 = arith.constant 0 : i32
      %dma_wait3A_72 = arith.constant 0 : i32
      %dma_wait3A_73 = tpu.memref_slice %arg3[%run_scoped3A, %dma_wait3A_71, %dma_wait3A_72] : memref<1x200x128xf32, #tpu.memory_space<hbm>> -> memref<1x200x128xf32, #tpu.memory_space<hbm>>
      %dma_wait3A_74 = tpu.memref_squeeze %dma_wait3A_73 : memref<1x200x128xf32, #tpu.memory_space<hbm>> -> memref<200x128xf32, #tpu.memory_space<hbm>>
      tpu.wait_dma2 semaphore(%run_scoped3A_58 : memref<!tpu.dma_semaphore, #tpu.memory_space<semaphore_mem>>) src(%dma_wait3A_74 : memref<200x128xf32, #tpu.memory_space<hbm>>) dst(%arg6 : memref<200x128xf32, #tpu.memory_space<vmem>>)
      tpu.yield
    }) : () -> ()
    %dma_start3A = arith.constant 0 : i32
    %dma_start3A_3 = tpu.memref_slice %arg2[%mul3A_2, %dma_start3A] : memref<4096x200xi32, #tpu.memory_space<hbm>> -> memref<1x200xi32, #tpu.memory_space<hbm>>
    %dma_start3A_4 = tpu.memref_squeeze %dma_start3A_3 : memref<1x200xi32, #tpu.memory_space<hbm>> -> memref<200xi32, #tpu.memory_space<hbm>>
    %dma_start3A_5 = arith.constant 0 : i32
    %dma_start3A_6 = tpu.memref_slice %arg2[%mul3A_2, %dma_start3A_5] : memref<4096x200xi32, #tpu.memory_space<hbm>> -> memref<1x200xi32, #tpu.memory_space<hbm>>
    %dma_start3A_7 = tpu.memref_squeeze %dma_start3A_6 : memref<1x200xi32, #tpu.memory_space<hbm>> -> memref<200xi32, #tpu.memory_space<hbm>>
    tpu.enqueue_dma source(%dma_start3A_7 : memref<200xi32, #tpu.memory_space<hbm>>) target(%arg7 : memref<200xi32, #tpu.memory_space<vmem>>) target_semaphore(%arg13 : memref<!tpu.dma_semaphore, #tpu.memory_space<semaphore_mem>>)
    %dma_wait3A = arith.constant 0 : i32
    %dma_wait3A_8 = tpu.memref_slice %arg2[%mul3A_2, %dma_wait3A] : memref<4096x200xi32, #tpu.memory_space<hbm>> -> memref<1x200xi32, #tpu.memory_space<hbm>>
    %dma_wait3A_9 = tpu.memref_squeeze %dma_wait3A_8 : memref<1x200xi32, #tpu.memory_space<hbm>> -> memref<200xi32, #tpu.memory_space<hbm>>
    %dma_wait3A_10 = arith.constant 0 : i32
    %dma_wait3A_11 = tpu.memref_slice %arg2[%mul3A_2, %dma_wait3A_10] : memref<4096x200xi32, #tpu.memory_space<hbm>> -> memref<1x200xi32, #tpu.memory_space<hbm>>
    %dma_wait3A_12 = tpu.memref_squeeze %dma_wait3A_11 : memref<1x200xi32, #tpu.memory_space<hbm>> -> memref<200xi32, #tpu.memory_space<hbm>>
    tpu.wait_dma2 semaphore(%arg13 : memref<!tpu.dma_semaphore, #tpu.memory_space<semaphore_mem>>) src(%dma_wait3A_12 : memref<200xi32, #tpu.memory_space<hbm>>) dst(%arg7 : memref<200xi32, #tpu.memory_space<vmem>>)
    %dma_start3A_13 = arith.constant 0 : i32
    %dma_start3A_14 = arith.constant 0 : i32
    %dma_start3A_15 = tpu.memref_slice %arg9[%dma_start3A_13, %dma_start3A_14] : memref<200x128xf32, #tpu.memory_space<vmem>> -> memref<104x128xf32, #tpu.memory_space<vmem>>
    %dma_start3A_16 = arith.constant 0 : i32
    %dma_start3A_17 = tpu.memref_slice %arg7[%dma_start3A_16] : memref<200xi32, #tpu.memory_space<vmem>> -> memref<104xi32, #tpu.memory_space<vmem>>
    %dma_start3A_18 = arith.constant 0 : i32
    %dma_start3A_19 = arith.constant 0 : i32
    %dma_start3A_20 = tpu.memref_slice %arg4[%dma_start3A_18, %dma_start3A_19] : memref<100000x128xf32, #tpu.memory_space<hbm>> -> memref<100000x128xf32, #tpu.memory_space<hbm>>
    tpu.enqueue_indirect_dma source(%dma_start3A_20 : memref<100000x128xf32, #tpu.memory_space<hbm>>) target(%dma_start3A_15 : memref<104x128xf32, #tpu.memory_space<vmem>>) offsets(%dma_start3A_17 : memref<104xi32, #tpu.memory_space<vmem>>) semaphore(%arg15 : memref<!tpu.dma_semaphore, #tpu.memory_space<semaphore_mem>>)
    %dma_start3A_21 = arith.constant 104 : i32
    %dma_start3A_22 = arith.constant 0 : i32
    %dma_start3A_23 = tpu.memref_slice %arg9[%dma_start3A_21, %dma_start3A_22] : memref<200x128xf32, #tpu.memory_space<vmem>> -> memref<96x128xf32, #tpu.memory_space<vmem>>
    %dma_start3A_24 = arith.constant 104 : i32
    %dma_start3A_25 = tpu.memref_slice %arg7[%dma_start3A_24] : memref<200xi32, #tpu.memory_space<vmem>> -> memref<96xi32, #tpu.memory_space<vmem>>
    %dma_start3A_26 = arith.constant 0 : i32
    %dma_start3A_27 = arith.constant 0 : i32
    %dma_start3A_28 = tpu.memref_slice %arg4[%dma_start3A_26, %dma_start3A_27] : memref<100000x128xf32, #tpu.memory_space<hbm>> -> memref<100000x128xf32, #tpu.memory_space<hbm>>
    tpu.enqueue_indirect_dma source(%dma_start3A_28 : memref<100000x128xf32, #tpu.memory_space<hbm>>) target(%dma_start3A_23 : memref<96x128xf32, #tpu.memory_space<vmem>>) offsets(%dma_start3A_25 : memref<96xi32, #tpu.memory_space<vmem>>) semaphore(%arg15 : memref<!tpu.dma_semaphore, #tpu.memory_space<semaphore_mem>>)
    %add3A_29 = arith.constant 1 : i32
    %add3A_30 = arith.addi %mul3A_2, %add3A_29 : i32
    %dma_start3A_31 = arith.constant 0 : i32
    %dma_start3A_32 = tpu.memref_slice %arg2[%add3A_30, %dma_start3A_31] : memref<4096x200xi32, #tpu.memory_space<hbm>> -> memref<1x200xi32, #tpu.memory_space<hbm>>
    %dma_start3A_33 = tpu.memref_squeeze %dma_start3A_32 : memref<1x200xi32, #tpu.memory_space<hbm>> -> memref<200xi32, #tpu.memory_space<hbm>>
    %dma_start3A_34 = arith.constant 0 : i32
    %dma_start3A_35 = tpu.memref_slice %arg2[%add3A_30, %dma_start3A_34] : memref<4096x200xi32, #tpu.memory_space<hbm>> -> memref<1x200xi32, #tpu.memory_space<hbm>>
    %dma_start3A_36 = tpu.memref_squeeze %dma_start3A_35 : memref<1x200xi32, #tpu.memory_space<hbm>> -> memref<200xi32, #tpu.memory_space<hbm>>
    tpu.enqueue_dma source(%dma_start3A_36 : memref<200xi32, #tpu.memory_space<hbm>>) target(%arg8 : memref<200xi32, #tpu.memory_space<vmem>>) target_semaphore(%arg14 : memref<!tpu.dma_semaphore, #tpu.memory_space<semaphore_mem>>)
    %scan3A = arith.constant 0 : i32
    %scan3A_37 = arith.constant 0 : i32
    %scan3A_38 = arith.constant 64 : i32
    %scan3A_39 = arith.addi %scan3A_37, %scan3A_38 : i32
    %scan3A_40 = arith.constant 1 : i32
    scf.for %scan3A_58 = %scan3A_37 to %scan3A_39 step %scan3A_40  : i32 {
      %mul3A_59 = arith.constant 2 : i32
      %mul3A_60 = arith.muli %mul3A_59, %scan3A_58 : i32
      %add3A_61 = arith.constant 1 : i32
      %add3A_62 = arith.addi %mul3A_60, %add3A_61 : i32
      %lt3A = arith.constant 128 : i32
      %lt3A_63 = arith.cmpi slt, %add3A_62, %lt3A : i32
      %convert_element_type3A = arith.extui %lt3A_63 : i1 to i32
      %cond3A = arith.constant 0 : i32
      %cond3A_64 = arith.cmpi ne, %convert_element_type3A, %cond3A : i32
      scf.if %cond3A_64 {
        %dma_wait3A_154 = arith.constant 0 : i32
        %dma_wait3A_155 = tpu.memref_slice %arg2[%mul3A_2, %dma_wait3A_154] : memref<4096x200xi32, #tpu.memory_space<hbm>> -> memref<1x200xi32, #tpu.memory_space<hbm>>
        %dma_wait3A_156 = tpu.memref_squeeze %dma_wait3A_155 : memref<1x200xi32, #tpu.memory_space<hbm>> -> memref<200xi32, #tpu.memory_space<hbm>>
        %dma_wait3A_157 = arith.constant 0 : i32
        %dma_wait3A_158 = tpu.memref_slice %arg2[%mul3A_2, %dma_wait3A_157] : memref<4096x200xi32, #tpu.memory_space<hbm>> -> memref<1x200xi32, #tpu.memory_space<hbm>>
        %dma_wait3A_159 = tpu.memref_squeeze %dma_wait3A_158 : memref<1x200xi32, #tpu.memory_space<hbm>> -> memref<200xi32, #tpu.memory_space<hbm>>
        tpu.wait_dma2 semaphore(%arg14 : memref<!tpu.dma_semaphore, #tpu.memory_space<semaphore_mem>>) src(%dma_wait3A_159 : memref<200xi32, #tpu.memory_space<hbm>>) dst(%arg8 : memref<200xi32, #tpu.memory_space<vmem>>)
        %dma_start3A_160 = arith.constant 0 : i32
        %dma_start3A_161 = arith.constant 0 : i32
        %dma_start3A_162 = tpu.memref_slice %arg10[%dma_start3A_160, %dma_start3A_161] : memref<200x128xf32, #tpu.memory_space<vmem>> -> memref<104x128xf32, #tpu.memory_space<vmem>>
        %dma_start3A_163 = arith.constant 0 : i32
        %dma_start3A_164 = tpu.memref_slice %arg8[%dma_start3A_163] : memref<200xi32, #tpu.memory_space<vmem>> -> memref<104xi32, #tpu.memory_space<vmem>>
        %dma_start3A_165 = arith.constant 0 : i32
        %dma_start3A_166 = arith.constant 0 : i32
        %dma_start3A_167 = tpu.memref_slice %arg4[%dma_start3A_165, %dma_start3A_166] : memref<100000x128xf32, #tpu.memory_space<hbm>> -> memref<100000x128xf32, #tpu.memory_space<hbm>>
        tpu.enqueue_indirect_dma source(%dma_start3A_167 : memref<100000x128xf32, #tpu.memory_space<hbm>>) target(%dma_start3A_162 : memref<104x128xf32, #tpu.memory_space<vmem>>) offsets(%dma_start3A_164 : memref<104xi32, #tpu.memory_space<vmem>>) semaphore(%arg16 : memref<!tpu.dma_semaphore, #tpu.memory_space<semaphore_mem>>)
        %dma_start3A_168 = arith.constant 104 : i32
        %dma_start3A_169 = arith.constant 0 : i32
        %dma_start3A_170 = tpu.memref_slice %arg10[%dma_start3A_168, %dma_start3A_169] : memref<200x128xf32, #tpu.memory_space<vmem>> -> memref<96x128xf32, #tpu.memory_space<vmem>>
        %dma_start3A_171 = arith.constant 104 : i32
        %dma_start3A_172 = tpu.memref_slice %arg8[%dma_start3A_171] : memref<200xi32, #tpu.memory_space<vmem>> -> memref<96xi32, #tpu.memory_space<vmem>>
        %dma_start3A_173 = arith.constant 0 : i32
        %dma_start3A_174 = arith.constant 0 : i32
        %dma_start3A_175 = tpu.memref_slice %arg4[%dma_start3A_173, %dma_start3A_174] : memref<100000x128xf32, #tpu.memory_space<hbm>> -> memref<100000x128xf32, #tpu.memory_space<hbm>>
        tpu.enqueue_indirect_dma source(%dma_start3A_175 : memref<100000x128xf32, #tpu.memory_space<hbm>>) target(%dma_start3A_170 : memref<96x128xf32, #tpu.memory_space<vmem>>) offsets(%dma_start3A_172 : memref<96xi32, #tpu.memory_space<vmem>>) semaphore(%arg16 : memref<!tpu.dma_semaphore, #tpu.memory_space<semaphore_mem>>)
      } else {
      }
      %dma_wait3A_65 = arith.constant 0 : i32
      %dma_wait3A_66 = arith.constant 0 : i32
      %dma_wait3A_67 = tpu.memref_slice %arg9[%dma_wait3A_65, %dma_wait3A_66] : memref<200x128xf32, #tpu.memory_space<vmem>> -> memref<104x128xf32, #tpu.memory_space<vmem>>
      %dma_wait3A_68 = arith.constant 0 : i32
      %dma_wait3A_69 = tpu.memref_slice %arg7[%dma_wait3A_68] : memref<200xi32, #tpu.memory_space<vmem>> -> memref<104xi32, #tpu.memory_space<vmem>>
      %dma_wait3A_70 = arith.constant 0 : i32
      %dma_wait3A_71 = arith.constant 0 : i32
      %dma_wait3A_72 = tpu.memref_slice %arg4[%dma_wait3A_70, %dma_wait3A_71] : memref<100000x128xf32, #tpu.memory_space<hbm>> -> memref<100000x128xf32, #tpu.memory_space<hbm>>
      tpu.wait_indirect_dma semaphore(%arg15 : memref<!tpu.dma_semaphore, #tpu.memory_space<semaphore_mem>>) src(%dma_wait3A_72 : memref<100000x128xf32, #tpu.memory_space<hbm>>) dst(%dma_wait3A_67 : memref<104x128xf32, #tpu.memory_space<vmem>>)
      %dma_wait3A_73 = arith.constant 104 : i32
      %dma_wait3A_74 = arith.constant 0 : i32
      %dma_wait3A_75 = tpu.memref_slice %arg9[%dma_wait3A_73, %dma_wait3A_74] : memref<200x128xf32, #tpu.memory_space<vmem>> -> memref<96x128xf32, #tpu.memory_space<vmem>>
      %dma_wait3A_76 = arith.constant 104 : i32
      %dma_wait3A_77 = tpu.memref_slice %arg7[%dma_wait3A_76] : memref<200xi32, #tpu.memory_space<vmem>> -> memref<96xi32, #tpu.memory_space<vmem>>
      %dma_wait3A_78 = arith.constant 0 : i32
      %dma_wait3A_79 = arith.constant 0 : i32
      %dma_wait3A_80 = tpu.memref_slice %arg4[%dma_wait3A_78, %dma_wait3A_79] : memref<100000x128xf32, #tpu.memory_space<hbm>> -> memref<100000x128xf32, #tpu.memory_space<hbm>>
      tpu.wait_indirect_dma semaphore(%arg15 : memref<!tpu.dma_semaphore, #tpu.memory_space<semaphore_mem>>) src(%dma_wait3A_80 : memref<100000x128xf32, #tpu.memory_space<hbm>>) dst(%dma_wait3A_75 : memref<96x128xf32, #tpu.memory_space<vmem>>)
      %add3A_81 = arith.constant 2 : i32
      %add3A_82 = arith.addi %mul3A_60, %add3A_81 : i32
      %lt3A_83 = arith.constant 128 : i32
      %lt3A_84 = arith.cmpi slt, %add3A_82, %lt3A_83 : i32
      %convert_element_type3A_85 = arith.extui %lt3A_84 : i1 to i32
      %cond3A_86 = arith.constant 0 : i32
      %cond3A_87 = arith.cmpi ne, %convert_element_type3A_85, %cond3A_86 : i32
      scf.if %cond3A_87 {
        %add3A_154 = arith.addi %mul3A_2, %mul3A_60 : i32
        %add3A_155 = arith.constant 2 : i32
        %add3A_156 = arith.addi %add3A_154, %add3A_155 : i32
        %dma_start3A_157 = arith.constant 0 : i32
        %dma_start3A_158 = tpu.memref_slice %arg2[%add3A_156, %dma_start3A_157] : memref<4096x200xi32, #tpu.memory_space<hbm>> -> memref<1x200xi32, #tpu.memory_space<hbm>>
        %dma_start3A_159 = tpu.memref_squeeze %dma_start3A_158 : memref<1x200xi32, #tpu.memory_space<hbm>> -> memref<200xi32, #tpu.memory_space<hbm>>
        %dma_start3A_160 = arith.constant 0 : i32
        %dma_start3A_161 = tpu.memref_slice %arg2[%add3A_156, %dma_start3A_160] : memref<4096x200xi32, #tpu.memory_space<hbm>> -> memref<1x200xi32, #tpu.memory_space<hbm>>
        %dma_start3A_162 = tpu.memref_squeeze %dma_start3A_161 : memref<1x200xi32, #tpu.memory_space<hbm>> -> memref<200xi32, #tpu.memory_space<hbm>>
        tpu.enqueue_dma source(%dma_start3A_162 : memref<200xi32, #tpu.memory_space<hbm>>) target(%arg7 : memref<200xi32, #tpu.memory_space<vmem>>) target_semaphore(%arg13 : memref<!tpu.dma_semaphore, #tpu.memory_space<semaphore_mem>>)
      } else {
      }
      %ge3A = arith.constant 2 : i32
      %ge3A_88 = arith.cmpi sge, %mul3A_60, %ge3A : i32
      %convert_element_type3A_89 = arith.extui %ge3A_88 : i1 to i32
      %cond3A_90 = arith.constant 0 : i32
      %cond3A_91 = arith.cmpi ne, %convert_element_type3A_89, %cond3A_90 : i32
      scf.if %cond3A_91 {
        %dma_wait3A_154 = arith.constant 0 : i32
        %dma_wait3A_155 = arith.constant 0 : i32
        %dma_wait3A_156 = tpu.memref_slice %arg5[%mul3A_2, %dma_wait3A_154, %dma_wait3A_155] : memref<4096x200x128xf32, #tpu.memory_space<hbm>> -> memref<1x200x128xf32, #tpu.memory_space<hbm>>
        %dma_wait3A_157 = tpu.memref_squeeze %dma_wait3A_156 : memref<1x200x128xf32, #tpu.memory_space<hbm>> -> memref<200x128xf32, #tpu.memory_space<hbm>>
        %dma_wait3A_158 = arith.constant 0 : i32
        %dma_wait3A_159 = arith.constant 0 : i32
        %dma_wait3A_160 = tpu.memref_slice %arg5[%mul3A_2, %dma_wait3A_158, %dma_wait3A_159] : memref<4096x200x128xf32, #tpu.memory_space<hbm>> -> memref<1x200x128xf32, #tpu.memory_space<hbm>>
        %dma_wait3A_161 = tpu.memref_squeeze %dma_wait3A_160 : memref<1x200x128xf32, #tpu.memory_space<hbm>> -> memref<200x128xf32, #tpu.memory_space<hbm>>
        tpu.wait_dma2 semaphore(%arg17 : memref<!tpu.dma_semaphore, #tpu.memory_space<semaphore_mem>>) src(%arg11 : memref<200x128xf32, #tpu.memory_space<vmem>>) dst(%dma_wait3A_161 : memref<200x128xf32, #tpu.memory_space<hbm>>)
      } else {
      }
      %parallel_loop3A = arith.constant 0 : i32
      %parallel_loop3A_92 = arith.constant 200 : i32
      %parallel_loop3A_93 = arith.constant 1 : i32
      scf.for %parallel_loop3A_154 = %parallel_loop3A to %parallel_loop3A_92 step %parallel_loop3A_93  : i32 {
        %parallel_loop3A_155 = arith.index_cast %parallel_loop3A_154 : i32 to index
        %parallel_loop3A_156 = arith.constant 0 : index
        %parallel_loop3A_157 = tpu.vector_load %arg9[%parallel_loop3A_155, %parallel_loop3A_156] {strides = array<i32>} : memref<200x128xf32, #tpu.memory_space<vmem>>, vector<1x16xf32>,
        %parallel_loop3A_158 = vector.shape_cast %parallel_loop3A_157 : vector<1x16xf32> to vector<16xf32>
        %parallel_loop3A_159 = arith.index_cast %parallel_loop3A_154 : i32 to index
        %parallel_loop3A_160 = arith.constant 0 : index
        %parallel_loop3A_161 = tpu.vector_load %arg6[%parallel_loop3A_159, %parallel_loop3A_160] {strides = array<i32>} : memref<200x128xf32, #tpu.memory_space<vmem>>, vector<1x16xf32>,
        %parallel_loop3A_162 = vector.shape_cast %parallel_loop3A_161 : vector<1x16xf32> to vector<16xf32>
        %parallel_loop3A_163 = arith.addf %parallel_loop3A_158, %parallel_loop3A_162 : vector<16xf32>
        %parallel_loop3A_164 = arith.index_cast %parallel_loop3A_154 : i32 to index
        %parallel_loop3A_165 = arith.constant 0 : index
        %parallel_loop3A_166 = tpu.vector_load %arg11[%parallel_loop3A_164, %parallel_loop3A_165] {strides = array<i32>} : memref<200x128xf32, #tpu.memory_space<vmem>>, vector<1x16xf32>,
        %parallel_loop3A_167 = vector.shape_cast %parallel_loop3A_166 : vector<1x16xf32> to vector<16xf32>
        %parallel_loop3A_168 = vector.shape_cast %parallel_loop3A_163 : vector<16xf32> to vector<1x16xf32>
        tpu.vector_store %arg11[%parallel_loop3A_164, %parallel_loop3A_165], %parallel_loop3A_168 {strides = array<i32>} : memref<200x128xf32, #tpu.memory_space<vmem>>, vector<1x16xf32>,
        %parallel_loop3A_169 = arith.index_cast %parallel_loop3A_154 : i32 to index
        %parallel_loop3A_170 = arith.constant 16 : index
        %parallel_loop3A_171 = tpu.vector_load %arg9[%parallel_loop3A_169, %parallel_loop3A_170] {strides = array<i32>} : memref<200x128xf32, #tpu.memory_space<vmem>>, vector<1x16xf32>,
        %parallel_loop3A_172 = vector.shape_cast %parallel_loop3A_171 : vector<1x16xf32> to vector<16xf32>
        %parallel_loop3A_173 = arith.index_cast %parallel_loop3A_154 : i32 to index
        %parallel_loop3A_174 = arith.constant 16 : index
        %parallel_loop3A_175 = tpu.vector_load %arg6[%parallel_loop3A_173, %parallel_loop3A_174] {strides = array<i32>} : memref<200x128xf32, #tpu.memory_space<vmem>>, vector<1x16xf32>,
        %parallel_loop3A_176 = vector.shape_cast %parallel_loop3A_175 : vector<1x16xf32> to vector<16xf32>
        %parallel_loop3A_177 = arith.addf %parallel_loop3A_172, %parallel_loop3A_176 : vector<16xf32>
        %parallel_loop3A_178 = arith.index_cast %parallel_loop3A_154 : i32 to index
        %parallel_loop3A_179 = arith.constant 16 : index
        %parallel_loop3A_180 = tpu.vector_load %arg11[%parallel_loop3A_178, %parallel_loop3A_179] {strides = array<i32>} : memref<200x128xf32, #tpu.memory_space<vmem>>, vector<1x16xf32>,
        %parallel_loop3A_181 = vector.shape_cast %parallel_loop3A_180 : vector<1x16xf32> to vector<16xf32>
        %parallel_loop3A_182 = vector.shape_cast %parallel_loop3A_177 : vector<16xf32> to vector<1x16xf32>
        tpu.vector_store %arg11[%parallel_loop3A_178, %parallel_loop3A_179], %parallel_loop3A_182 {strides = array<i32>} : memref<200x128xf32, #tpu.memory_space<vmem>>, vector<1x16xf32>,
        %parallel_loop3A_183 = arith.index_cast %parallel_loop3A_154 : i32 to index
        %parallel_loop3A_184 = arith.constant 32 : index
        %parallel_loop3A_185 = tpu.vector_load %arg9[%parallel_loop3A_183, %parallel_loop3A_184] {strides = array<i32>} : memref<200x128xf32, #tpu.memory_space<vmem>>, vector<1x16xf32>,
        %parallel_loop3A_186 = vector.shape_cast %parallel_loop3A_185 : vector<1x16xf32> to vector<16xf32>
        %parallel_loop3A_187 = arith.index_cast %parallel_loop3A_154 : i32 to index
        %parallel_loop3A_188 = arith.constant 32 : index
        %parallel_loop3A_189 = tpu.vector_load %arg6[%parallel_loop3A_187, %parallel_loop3A_188] {strides = array<i32>} : memref<200x128xf32, #tpu.memory_space<vmem>>, vector<1x16xf32>,
        %parallel_loop3A_190 = vector.shape_cast %parallel_loop3A_189 : vector<1x16xf32> to vector<16xf32>
        %parallel_loop3A_191 = arith.addf %parallel_loop3A_186, %parallel_loop3A_190 : vector<16xf32>
        %parallel_loop3A_192 = arith.index_cast %parallel_loop3A_154 : i32 to index
        %parallel_loop3A_193 = arith.constant 32 : index
        %parallel_loop3A_194 = tpu.vector_load %arg11[%parallel_loop3A_192, %parallel_loop3A_193] {strides = array<i32>} : memref<200x128xf32, #tpu.memory_space<vmem>>, vector<1x16xf32>,
        %parallel_loop3A_195 = vector.shape_cast %parallel_loop3A_194 : vector<1x16xf32> to vector<16xf32>
        %parallel_loop3A_196 = vector.shape_cast %parallel_loop3A_191 : vector<16xf32> to vector<1x16xf32>
        tpu.vector_store %arg11[%parallel_loop3A_192, %parallel_loop3A_193], %parallel_loop3A_196 {strides = array<i32>} : memref<200x128xf32, #tpu.memory_space<vmem>>, vector<1x16xf32>,
        %parallel_loop3A_197 = arith.index_cast %parallel_loop3A_154 : i32 to index
        %parallel_loop3A_198 = arith.constant 48 : index
        %parallel_loop3A_199 = tpu.vector_load %arg9[%parallel_loop3A_197, %parallel_loop3A_198] {strides = array<i32>} : memref<200x128xf32, #tpu.memory_space<vmem>>, vector<1x16xf32>,
        %parallel_loop3A_200 = vector.shape_cast %parallel_loop3A_199 : vector<1x16xf32> to vector<16xf32>
        %parallel_loop3A_201 = arith.index_cast %parallel_loop3A_154 : i32 to index
        %parallel_loop3A_202 = arith.constant 48 : index
        %parallel_loop3A_203 = tpu.vector_load %arg6[%parallel_loop3A_201, %parallel_loop3A_202] {strides = array<i32>} : memref<200x128xf32, #tpu.memory_space<vmem>>, vector<1x16xf32>,
        %parallel_loop3A_204 = vector.shape_cast %parallel_loop3A_203 : vector<1x16xf32> to vector<16xf32>
        %parallel_loop3A_205 = arith.addf %parallel_loop3A_200, %parallel_loop3A_204 : vector<16xf32>
        %parallel_loop3A_206 = arith.index_cast %parallel_loop3A_154 : i32 to index
        %parallel_loop3A_207 = arith.constant 48 : index
        %parallel_loop3A_208 = tpu.vector_load %arg11[%parallel_loop3A_206, %parallel_loop3A_207] {strides = array<i32>} : memref<200x128xf32, #tpu.memory_space<vmem>>, vector<1x16xf32>,
        %parallel_loop3A_209 = vector.shape_cast %parallel_loop3A_208 : vector<1x16xf32> to vector<16xf32>
        %parallel_loop3A_210 = vector.shape_cast %parallel_loop3A_205 : vector<16xf32> to vector<1x16xf32>
        tpu.vector_store %arg11[%parallel_loop3A_206, %parallel_loop3A_207], %parallel_loop3A_210 {strides = array<i32>} : memref<200x128xf32, #tpu.memory_space<vmem>>, vector<1x16xf32>,
        %parallel_loop3A_211 = arith.index_cast %parallel_loop3A_154 : i32 to index
        %parallel_loop3A_212 = arith.constant 64 : index
        %parallel_loop3A_213 = tpu.vector_load %arg9[%parallel_loop3A_211, %parallel_loop3A_212] {strides = array<i32>} : memref<200x128xf32, #tpu.memory_space<vmem>>, vector<1x16xf32>,
        %parallel_loop3A_214 = vector.shape_cast %parallel_loop3A_213 : vector<1x16xf32> to vector<16xf32>
        %parallel_loop3A_215 = arith.index_cast %parallel_loop3A_154 : i32 to index
        %parallel_loop3A_216 = arith.constant 64 : index
        %parallel_loop3A_217 = tpu.vector_load %arg6[%parallel_loop3A_215, %parallel_loop3A_216] {strides = array<i32>} : memref<200x128xf32, #tpu.memory_space<vmem>>, vector<1x16xf32>,
        %parallel_loop3A_218 = vector.shape_cast %parallel_loop3A_217 : vector<1x16xf32> to vector<16xf32>
        %parallel_loop3A_219 = arith.addf %parallel_loop3A_214, %parallel_loop3A_218 : vector<16xf32>
        %parallel_loop3A_220 = arith.index_cast %parallel_loop3A_154 : i32 to index
        %parallel_loop3A_221 = arith.constant 64 : index
        %parallel_loop3A_222 = tpu.vector_load %arg11[%parallel_loop3A_220, %parallel_loop3A_221] {strides = array<i32>} : memref<200x128xf32, #tpu.memory_space<vmem>>, vector<1x16xf32>,
        %parallel_loop3A_223 = vector.shape_cast %parallel_loop3A_222 : vector<1x16xf32> to vector<16xf32>
        %parallel_loop3A_224 = vector.shape_cast %parallel_loop3A_219 : vector<16xf32> to vector<1x16xf32>
        tpu.vector_store %arg11[%parallel_loop3A_220, %parallel_loop3A_221], %parallel_loop3A_224 {strides = array<i32>} : memref<200x128xf32, #tpu.memory_space<vmem>>, vector<1x16xf32>,
        %parallel_loop3A_225 = arith.index_cast %parallel_loop3A_154 : i32 to index
        %parallel_loop3A_226 = arith.constant 80 : index
        %parallel_loop3A_227 = tpu.vector_load %arg9[%parallel_loop3A_225, %parallel_loop3A_226] {strides = array<i32>} : memref<200x128xf32, #tpu.memory_space<vmem>>, vector<1x16xf32>,
        %parallel_loop3A_228 = vector.shape_cast %parallel_loop3A_227 : vector<1x16xf32> to vector<16xf32>
        %parallel_loop3A_229 = arith.index_cast %parallel_loop3A_154 : i32 to index
        %parallel_loop3A_230 = arith.constant 80 : index
        %parallel_loop3A_231 = tpu.vector_load %arg6[%parallel_loop3A_229, %parallel_loop3A_230] {strides = array<i32>} : memref<200x128xf32, #tpu.memory_space<vmem>>, vector<1x16xf32>,
        %parallel_loop3A_232 = vector.shape_cast %parallel_loop3A_231 : vector<1x16xf32> to vector<16xf32>
        %parallel_loop3A_233 = arith.addf %parallel_loop3A_228, %parallel_loop3A_232 : vector<16xf32>
        %parallel_loop3A_234 = arith.index_cast %parallel_loop3A_154 : i32 to index
        %parallel_loop3A_235 = arith.constant 80 : index
        %parallel_loop3A_236 = tpu.vector_load %arg11[%parallel_loop3A_234, %parallel_loop3A_235] {strides = array<i32>} : memref<200x128xf32, #tpu.memory_space<vmem>>, vector<1x16xf32>,
        %parallel_loop3A_237 = vector.shape_cast %parallel_loop3A_236 : vector<1x16xf32> to vector<16xf32>
        %parallel_loop3A_238 = vector.shape_cast %parallel_loop3A_233 : vector<16xf32> to vector<1x16xf32>
        tpu.vector_store %arg11[%parallel_loop3A_234, %parallel_loop3A_235], %parallel_loop3A_238 {strides = array<i32>} : memref<200x128xf32, #tpu.memory_space<vmem>>, vector<1x16xf32>,
        %parallel_loop3A_239 = arith.index_cast %parallel_loop3A_154 : i32 to index
        %parallel_loop3A_240 = arith.constant 96 : index
        %parallel_loop3A_241 = tpu.vector_load %arg9[%parallel_loop3A_239, %parallel_loop3A_240] {strides = array<i32>} : memref<200x128xf32, #tpu.memory_space<vmem>>, vector<1x16xf32>,
        %parallel_loop3A_242 = vector.shape_cast %parallel_loop3A_241 : vector<1x16xf32> to vector<16xf32>
        %parallel_loop3A_243 = arith.index_cast %parallel_loop3A_154 : i32 to index
        %parallel_loop3A_244 = arith.constant 96 : index
        %parallel_loop3A_245 = tpu.vector_load %arg6[%parallel_loop3A_243, %parallel_loop3A_244] {strides = array<i32>} : memref<200x128xf32, #tpu.memory_space<vmem>>, vector<1x16xf32>,
        %parallel_loop3A_246 = vector.shape_cast %parallel_loop3A_245 : vector<1x16xf32> to vector<16xf32>
        %parallel_loop3A_247 = arith.addf %parallel_loop3A_242, %parallel_loop3A_246 : vector<16xf32>
        %parallel_loop3A_248 = arith.index_cast %parallel_loop3A_154 : i32 to index
        %parallel_loop3A_249 = arith.constant 96 : index
        %parallel_loop3A_250 = tpu.vector_load %arg11[%parallel_loop3A_248, %parallel_loop3A_249] {strides = array<i32>} : memref<200x128xf32, #tpu.memory_space<vmem>>, vector<1x16xf32>,
        %parallel_loop3A_251 = vector.shape_cast %parallel_loop3A_250 : vector<1x16xf32> to vector<16xf32>
        %parallel_loop3A_252 = vector.shape_cast %parallel_loop3A_247 : vector<16xf32> to vector<1x16xf32>
        tpu.vector_store %arg11[%parallel_loop3A_248, %parallel_loop3A_249], %parallel_loop3A_252 {strides = array<i32>} : memref<200x128xf32, #tpu.memory_space<vmem>>, vector<1x16xf32>,
        %parallel_loop3A_253 = arith.index_cast %parallel_loop3A_154 : i32 to index
        %parallel_loop3A_254 = arith.constant 112 : index
        %parallel_loop3A_255 = tpu.vector_load %arg9[%parallel_loop3A_253, %parallel_loop3A_254] {strides = array<i32>} : memref<200x128xf32, #tpu.memory_space<vmem>>, vector<1x16xf32>,
        %parallel_loop3A_256 = vector.shape_cast %parallel_loop3A_255 : vector<1x16xf32> to vector<16xf32>
        %parallel_loop3A_257 = arith.index_cast %parallel_loop3A_154 : i32 to index
        %parallel_loop3A_258 = arith.constant 112 : index
        %parallel_loop3A_259 = tpu.vector_load %arg6[%parallel_loop3A_257, %parallel_loop3A_258] {strides = array<i32>} : memref<200x128xf32, #tpu.memory_space<vmem>>, vector<1x16xf32>,
        %parallel_loop3A_260 = vector.shape_cast %parallel_loop3A_259 : vector<1x16xf32> to vector<16xf32>
        %parallel_loop3A_261 = arith.addf %parallel_loop3A_256, %parallel_loop3A_260 : vector<16xf32>
        %parallel_loop3A_262 = arith.index_cast %parallel_loop3A_154 : i32 to index
        %parallel_loop3A_263 = arith.constant 112 : index
        %parallel_loop3A_264 = tpu.vector_load %arg11[%parallel_loop3A_262, %parallel_loop3A_263] {strides = array<i32>} : memref<200x128xf32, #tpu.memory_space<vmem>>, vector<1x16xf32>,
        %parallel_loop3A_265 = vector.shape_cast %parallel_loop3A_264 : vector<1x16xf32> to vector<16xf32>
        %parallel_loop3A_266 = vector.shape_cast %parallel_loop3A_261 : vector<16xf32> to vector<1x16xf32>
        tpu.vector_store %arg11[%parallel_loop3A_262, %parallel_loop3A_263], %parallel_loop3A_266 {strides = array<i32>} : memref<200x128xf32, #tpu.memory_space<vmem>>, vector<1x16xf32>,
      } {sc.loop_unroll_factor = 4 : i64, sc.parallel_access}
      %add3A_94 = arith.addi %mul3A_2, %mul3A_60 : i32
      %dma_start3A_95 = arith.constant 0 : i32
      %dma_start3A_96 = arith.constant 0 : i32
      %dma_start3A_97 = tpu.memref_slice %arg5[%add3A_94, %dma_start3A_95, %dma_start3A_96] : memref<4096x200x128xf32, #tpu.memory_space<hbm>> -> memref<1x200x128xf32, #tpu.memory_space<hbm>>
      %dma_start3A_98 = tpu.memref_squeeze %dma_start3A_97 : memref<1x200x128xf32, #tpu.memory_space<hbm>> -> memref<200x128xf32, #tpu.memory_space<hbm>>
      %dma_start3A_99 = arith.constant 0 : i32
      %dma_start3A_100 = arith.constant 0 : i32
      %dma_start3A_101 = tpu.memref_slice %arg5[%add3A_94, %dma_start3A_99, %dma_start3A_100] : memref<4096x200x128xf32, #tpu.memory_space<hbm>> -> memref<1x200x128xf32, #tpu.memory_space<hbm>>
      %dma_start3A_102 = tpu.memref_squeeze %dma_start3A_101 : memref<1x200x128xf32, #tpu.memory_space<hbm>> -> memref<200x128xf32, #tpu.memory_space<hbm>>
      tpu.enqueue_dma source(%arg11 : memref<200x128xf32, #tpu.memory_space<vmem>>) target(%dma_start3A_102 : memref<200x128xf32, #tpu.memory_space<hbm>>) target_semaphore(%arg17 : memref<!tpu.dma_semaphore, #tpu.memory_space<semaphore_mem>>)
      %mul3A_103 = arith.constant 2 : i32
      %mul3A_104 = arith.muli %mul3A_103, %scan3A_58 : i32
      %add3A_105 = arith.constant 1 : i32
      %add3A_106 = arith.addi %mul3A_104, %add3A_105 : i32
      %add3A_107 = arith.constant 1 : i32
      %add3A_108 = arith.addi %add3A_106, %add3A_107 : i32
      %lt3A_109 = arith.constant 128 : i32
      %lt3A_110 = arith.cmpi slt, %add3A_108, %lt3A_109 : i32
      %convert_element_type3A_111 = arith.extui %lt3A_110 : i1 to i32
      %cond3A_112 = arith.constant 0 : i32
      %cond3A_113 = arith.cmpi ne, %convert_element_type3A_111, %cond3A_112 : i32
      scf.if %cond3A_113 {
        %dma_wait3A_154 = arith.constant 0 : i32
        %dma_wait3A_155 = tpu.memref_slice %arg2[%mul3A_2, %dma_wait3A_154] : memref<4096x200xi32, #tpu.memory_space<hbm>> -> memref<1x200xi32, #tpu.memory_space<hbm>>
        %dma_wait3A_156 = tpu.memref_squeeze %dma_wait3A_155 : memref<1x200xi32, #tpu.memory_space<hbm>> -> memref<200xi32, #tpu.memory_space<hbm>>
        %dma_wait3A_157 = arith.constant 0 : i32
        %dma_wait3A_158 = tpu.memref_slice %arg2[%mul3A_2, %dma_wait3A_157] : memref<4096x200xi32, #tpu.memory_space<hbm>> -> memref<1x200xi32, #tpu.memory_space<hbm>>
        %dma_wait3A_159 = tpu.memref_squeeze %dma_wait3A_158 : memref<1x200xi32, #tpu.memory_space<hbm>> -> memref<200xi32, #tpu.memory_space<hbm>>
        tpu.wait_dma2 semaphore(%arg13 : memref<!tpu.dma_semaphore, #tpu.memory_space<semaphore_mem>>) src(%dma_wait3A_159 : memref<200xi32, #tpu.memory_space<hbm>>) dst(%arg7 : memref<200xi32, #tpu.memory_space<vmem>>)
        %dma_start3A_160 = arith.constant 0 : i32
        %dma_start3A_161 = arith.constant 0 : i32
        %dma_start3A_162 = tpu.memref_slice %arg9[%dma_start3A_160, %dma_start3A_161] : memref<200x128xf32, #tpu.memory_space<vmem>> -> memref<104x128xf32, #tpu.memory_space<vmem>>
        %dma_start3A_163 = arith.constant 0 : i32
        %dma_start3A_164 = tpu.memref_slice %arg7[%dma_start3A_163] : memref<200xi32, #tpu.memory_space<vmem>> -> memref<104xi32, #tpu.memory_space<vmem>>
        %dma_start3A_165 = arith.constant 0 : i32
        %dma_start3A_166 = arith.constant 0 : i32
        %dma_start3A_167 = tpu.memref_slice %arg4[%dma_start3A_165, %dma_start3A_166] : memref<100000x128xf32, #tpu.memory_space<hbm>> -> memref<100000x128xf32, #tpu.memory_space<hbm>>
        tpu.enqueue_indirect_dma source(%dma_start3A_167 : memref<100000x128xf32, #tpu.memory_space<hbm>>) target(%dma_start3A_162 : memref<104x128xf32, #tpu.memory_space<vmem>>) offsets(%dma_start3A_164 : memref<104xi32, #tpu.memory_space<vmem>>) semaphore(%arg15 : memref<!tpu.dma_semaphore, #tpu.memory_space<semaphore_mem>>)
        %dma_start3A_168 = arith.constant 104 : i32
        %dma_start3A_169 = arith.constant 0 : i32
        %dma_start3A_170 = tpu.memref_slice %arg9[%dma_start3A_168, %dma_start3A_169] : memref<200x128xf32, #tpu.memory_space<vmem>> -> memref<96x128xf32, #tpu.memory_space<vmem>>
        %dma_start3A_171 = arith.constant 104 : i32
        %dma_start3A_172 = tpu.memref_slice %arg7[%dma_start3A_171] : memref<200xi32, #tpu.memory_space<vmem>> -> memref<96xi32, #tpu.memory_space<vmem>>
        %dma_start3A_173 = arith.constant 0 : i32
        %dma_start3A_174 = arith.constant 0 : i32
        %dma_start3A_175 = tpu.memref_slice %arg4[%dma_start3A_173, %dma_start3A_174] : memref<100000x128xf32, #tpu.memory_space<hbm>> -> memref<100000x128xf32, #tpu.memory_space<hbm>>
        tpu.enqueue_indirect_dma source(%dma_start3A_175 : memref<100000x128xf32, #tpu.memory_space<hbm>>) target(%dma_start3A_170 : memref<96x128xf32, #tpu.memory_space<vmem>>) offsets(%dma_start3A_172 : memref<96xi32, #tpu.memory_space<vmem>>) semaphore(%arg15 : memref<!tpu.dma_semaphore, #tpu.memory_space<semaphore_mem>>)
      } else {
      }
      %dma_wait3A_114 = arith.constant 0 : i32
      %dma_wait3A_115 = arith.constant 0 : i32
      %dma_wait3A_116 = tpu.memref_slice %arg10[%dma_wait3A_114, %dma_wait3A_115] : memref<200x128xf32, #tpu.memory_space<vmem>> -> memref<104x128xf32, #tpu.memory_space<vmem>>
      %dma_wait3A_117 = arith.constant 0 : i32
      %dma_wait3A_118 = tpu.memref_slice %arg8[%dma_wait3A_117] : memref<200xi32, #tpu.memory_space<vmem>> -> memref<104xi32, #tpu.memory_space<vmem>>
      %dma_wait3A_119 = arith.constant 0 : i32
      %dma_wait3A_120 = arith.constant 0 : i32
      %dma_wait3A_121 = tpu.memref_slice %arg4[%dma_wait3A_119, %dma_wait3A_120] : memref<100000x128xf32, #tpu.memory_space<hbm>> -> memref<100000x128xf32, #tpu.memory_space<hbm>>
      tpu.wait_indirect_dma semaphore(%arg16 : memref<!tpu.dma_semaphore, #tpu.memory_space<semaphore_mem>>) src(%dma_wait3A_121 : memref<100000x128xf32, #tpu.memory_space<hbm>>) dst(%dma_wait3A_116 : memref<104x128xf32, #tpu.memory_space<vmem>>)
      %dma_wait3A_122 = arith.constant 104 : i32
      %dma_wait3A_123 = arith.constant 0 : i32
      %dma_wait3A_124 = tpu.memref_slice %arg10[%dma_wait3A_122, %dma_wait3A_123] : memref<200x128xf32, #tpu.memory_space<vmem>> -> memref<96x128xf32, #tpu.memory_space<vmem>>
      %dma_wait3A_125 = arith.constant 104 : i32
      %dma_wait3A_126 = tpu.memref_slice %arg8[%dma_wait3A_125] : memref<200xi32, #tpu.memory_space<vmem>> -> memref<96xi32, #tpu.memory_space<vmem>>
      %dma_wait3A_127 = arith.constant 0 : i32
      %dma_wait3A_128 = arith.constant 0 : i32
      %dma_wait3A_129 = tpu.memref_slice %arg4[%dma_wait3A_127, %dma_wait3A_128] : memref<100000x128xf32, #tpu.memory_space<hbm>> -> memref<100000x128xf32, #tpu.memory_space<hbm>>
      tpu.wait_indirect_dma semaphore(%arg16 : memref<!tpu.dma_semaphore, #tpu.memory_space<semaphore_mem>>) src(%dma_wait3A_129 : memref<100000x128xf32, #tpu.memory_space<hbm>>) dst(%dma_wait3A_124 : memref<96x128xf32, #tpu.memory_space<vmem>>)
      %add3A_130 = arith.constant 2 : i32
      %add3A_131 = arith.addi %add3A_106, %add3A_130 : i32
      %lt3A_132 = arith.constant 128 : i32
      %lt3A_133 = arith.cmpi slt, %add3A_131, %lt3A_132 : i32
      %convert_element_type3A_134 = arith.extui %lt3A_133 : i1 to i32
      %cond3A_135 = arith.constant 0 : i32
      %cond3A_136 = arith.cmpi ne, %convert_element_type3A_134, %cond3A_135 : i32
      scf.if %cond3A_136 {
        %add3A_154 = arith.addi %mul3A_2, %add3A_106 : i32
        %add3A_155 = arith.constant 2 : i32
        %add3A_156 = arith.addi %add3A_154, %add3A_155 : i32
        %dma_start3A_157 = arith.constant 0 : i32
        %dma_start3A_158 = tpu.memref_slice %arg2[%add3A_156, %dma_start3A_157] : memref<4096x200xi32, #tpu.memory_space<hbm>> -> memref<1x200xi32, #tpu.memory_space<hbm>>
        %dma_start3A_159 = tpu.memref_squeeze %dma_start3A_158 : memref<1x200xi32, #tpu.memory_space<hbm>> -> memref<200xi32, #tpu.memory_space<hbm>>
        %dma_start3A_160 = arith.constant 0 : i32
        %dma_start3A_161 = tpu.memref_slice %arg2[%add3A_156, %dma_start3A_160] : memref<4096x200xi32, #tpu.memory_space<hbm>> -> memref<1x200xi32, #tpu.memory_space<hbm>>
        %dma_start3A_162 = tpu.memref_squeeze %dma_start3A_161 : memref<1x200xi32, #tpu.memory_space<hbm>> -> memref<200xi32, #tpu.memory_space<hbm>>
        tpu.enqueue_dma source(%dma_start3A_162 : memref<200xi32, #tpu.memory_space<hbm>>) target(%arg8 : memref<200xi32, #tpu.memory_space<vmem>>) target_semaphore(%arg14 : memref<!tpu.dma_semaphore, #tpu.memory_space<semaphore_mem>>)
      } else {
      }
      %ge3A_137 = arith.constant 2 : i32
      %ge3A_138 = arith.cmpi sge, %add3A_106, %ge3A_137 : i32
      %convert_element_type3A_139 = arith.extui %ge3A_138 : i1 to i32
      %cond3A_140 = arith.constant 0 : i32
      %cond3A_141 = arith.cmpi ne, %convert_element_type3A_139, %cond3A_140 : i32
      scf.if %cond3A_141 {
        %dma_wait3A_154 = arith.constant 0 : i32
        %dma_wait3A_155 = arith.constant 0 : i32
        %dma_wait3A_156 = tpu.memref_slice %arg5[%mul3A_2, %dma_wait3A_154, %dma_wait3A_155] : memref<4096x200x128xf32, #tpu.memory_space<hbm>> -> memref<1x200x128xf32, #tpu.memory_space<hbm>>
        %dma_wait3A_157 = tpu.memref_squeeze %dma_wait3A_156 : memref<1x200x128xf32, #tpu.memory_space<hbm>> -> memref<200x128xf32, #tpu.memory_space<hbm>>
        %dma_wait3A_158 = arith.constant 0 : i32
        %dma_wait3A_159 = arith.constant 0 : i32
        %dma_wait3A_160 = tpu.memref_slice %arg5[%mul3A_2, %dma_wait3A_158, %dma_wait3A_159] : memref<4096x200x128xf32, #tpu.memory_space<hbm>> -> memref<1x200x128xf32, #tpu.memory_space<hbm>>
        %dma_wait3A_161 = tpu.memref_squeeze %dma_wait3A_160 : memref<1x200x128xf32, #tpu.memory_space<hbm>> -> memref<200x128xf32, #tpu.memory_space<hbm>>
        tpu.wait_dma2 semaphore(%arg18 : memref<!tpu.dma_semaphore, #tpu.memory_space<semaphore_mem>>) src(%arg12 : memref<200x128xf32, #tpu.memory_space<vmem>>) dst(%dma_wait3A_161 : memref<200x128xf32, #tpu.memory_space<hbm>>)
      } else {
      }
      %parallel_loop3A_142 = arith.constant 0 : i32
      %parallel_loop3A_143 = arith.constant 200 : i32
      %parallel_loop3A_144 = arith.constant 1 : i32
      scf.for %parallel_loop3A_154 = %parallel_loop3A_142 to %parallel_loop3A_143 step %parallel_loop3A_144  : i32 {
        %parallel_loop3A_155 = arith.index_cast %parallel_loop3A_154 : i32 to index
        %parallel_loop3A_156 = arith.constant 0 : index
        %parallel_loop3A_157 = tpu.vector_load %arg10[%parallel_loop3A_155, %parallel_loop3A_156] {strides = array<i32>} : memref<200x128xf32, #tpu.memory_space<vmem>>, vector<1x16xf32>,
        %parallel_loop3A_158 = vector.shape_cast %parallel_loop3A_157 : vector<1x16xf32> to vector<16xf32>
        %parallel_loop3A_159 = arith.index_cast %parallel_loop3A_154 : i32 to index
        %parallel_loop3A_160 = arith.constant 0 : index
        %parallel_loop3A_161 = tpu.vector_load %arg6[%parallel_loop3A_159, %parallel_loop3A_160] {strides = array<i32>} : memref<200x128xf32, #tpu.memory_space<vmem>>, vector<1x16xf32>,
        %parallel_loop3A_162 = vector.shape_cast %parallel_loop3A_161 : vector<1x16xf32> to vector<16xf32>
        %parallel_loop3A_163 = arith.addf %parallel_loop3A_158, %parallel_loop3A_162 : vector<16xf32>
        %parallel_loop3A_164 = arith.index_cast %parallel_loop3A_154 : i32 to index
        %parallel_loop3A_165 = arith.constant 0 : index
        %parallel_loop3A_166 = tpu.vector_load %arg12[%parallel_loop3A_164, %parallel_loop3A_165] {strides = array<i32>} : memref<200x128xf32, #tpu.memory_space<vmem>>, vector<1x16xf32>,
        %parallel_loop3A_167 = vector.shape_cast %parallel_loop3A_166 : vector<1x16xf32> to vector<16xf32>
        %parallel_loop3A_168 = vector.shape_cast %parallel_loop3A_163 : vector<16xf32> to vector<1x16xf32>
        tpu.vector_store %arg12[%parallel_loop3A_164, %parallel_loop3A_165], %parallel_loop3A_168 {strides = array<i32>} : memref<200x128xf32, #tpu.memory_space<vmem>>, vector<1x16xf32>,
        %parallel_loop3A_169 = arith.index_cast %parallel_loop3A_154 : i32 to index
        %parallel_loop3A_170 = arith.constant 16 : index
        %parallel_loop3A_171 = tpu.vector_load %arg10[%parallel_loop3A_169, %parallel_loop3A_170] {strides = array<i32>} : memref<200x128xf32, #tpu.memory_space<vmem>>, vector<1x16xf32>,
        %parallel_loop3A_172 = vector.shape_cast %parallel_loop3A_171 : vector<1x16xf32> to vector<16xf32>
        %parallel_loop3A_173 = arith.index_cast %parallel_loop3A_154 : i32 to index
        %parallel_loop3A_174 = arith.constant 16 : index
        %parallel_loop3A_175 = tpu.vector_load %arg6[%parallel_loop3A_173, %parallel_loop3A_174] {strides = array<i32>} : memref<200x128xf32, #tpu.memory_space<vmem>>, vector<1x16xf32>,
        %parallel_loop3A_176 = vector.shape_cast %parallel_loop3A_175 : vector<1x16xf32> to vector<16xf32>
        %parallel_loop3A_177 = arith.addf %parallel_loop3A_172, %parallel_loop3A_176 : vector<16xf32>
        %parallel_loop3A_178 = arith.index_cast %parallel_loop3A_154 : i32 to index
        %parallel_loop3A_179 = arith.constant 16 : index
        %parallel_loop3A_180 = tpu.vector_load %arg12[%parallel_loop3A_178, %parallel_loop3A_179] {strides = array<i32>} : memref<200x128xf32, #tpu.memory_space<vmem>>, vector<1x16xf32>,
        %parallel_loop3A_181 = vector.shape_cast %parallel_loop3A_180 : vector<1x16xf32> to vector<16xf32>
        %parallel_loop3A_182 = vector.shape_cast %parallel_loop3A_177 : vector<16xf32> to vector<1x16xf32>
        tpu.vector_store %arg12[%parallel_loop3A_178, %parallel_loop3A_179], %parallel_loop3A_182 {strides = array<i32>} : memref<200x128xf32, #tpu.memory_space<vmem>>, vector<1x16xf32>,
        %parallel_loop3A_183 = arith.index_cast %parallel_loop3A_154 : i32 to index
        %parallel_loop3A_184 = arith.constant 32 : index
        %parallel_loop3A_185 = tpu.vector_load %arg10[%parallel_loop3A_183, %parallel_loop3A_184] {strides = array<i32>} : memref<200x128xf32, #tpu.memory_space<vmem>>, vector<1x16xf32>,
        %parallel_loop3A_186 = vector.shape_cast %parallel_loop3A_185 : vector<1x16xf32> to vector<16xf32>
        %parallel_loop3A_187 = arith.index_cast %parallel_loop3A_154 : i32 to index
        %parallel_loop3A_188 = arith.constant 32 : index
        %parallel_loop3A_189 = tpu.vector_load %arg6[%parallel_loop3A_187, %parallel_loop3A_188] {strides = array<i32>} : memref<200x128xf32, #tpu.memory_space<vmem>>, vector<1x16xf32>,
        %parallel_loop3A_190 = vector.shape_cast %parallel_loop3A_189 : vector<1x16xf32> to vector<16xf32>
        %parallel_loop3A_191 = arith.addf %parallel_loop3A_186, %parallel_loop3A_190 : vector<16xf32>
        %parallel_loop3A_192 = arith.index_cast %parallel_loop3A_154 : i32 to index
        %parallel_loop3A_193 = arith.constant 32 : index
        %parallel_loop3A_194 = tpu.vector_load %arg12[%parallel_loop3A_192, %parallel_loop3A_193] {strides = array<i32>} : memref<200x128xf32, #tpu.memory_space<vmem>>, vector<1x16xf32>,
        %parallel_loop3A_195 = vector.shape_cast %parallel_loop3A_194 : vector<1x16xf32> to vector<16xf32>
        %parallel_loop3A_196 = vector.shape_cast %parallel_loop3A_191 : vector<16xf32> to vector<1x16xf32>
        tpu.vector_store %arg12[%parallel_loop3A_192, %parallel_loop3A_193], %parallel_loop3A_196 {strides = array<i32>} : memref<200x128xf32, #tpu.memory_space<vmem>>, vector<1x16xf32>,
        %parallel_loop3A_197 = arith.index_cast %parallel_loop3A_154 : i32 to index
        %parallel_loop3A_198 = arith.constant 48 : index
        %parallel_loop3A_199 = tpu.vector_load %arg10[%parallel_loop3A_197, %parallel_loop3A_198] {strides = array<i32>} : memref<200x128xf32, #tpu.memory_space<vmem>>, vector<1x16xf32>,
        %parallel_loop3A_200 = vector.shape_cast %parallel_loop3A_199 : vector<1x16xf32> to vector<16xf32>
        %parallel_loop3A_201 = arith.index_cast %parallel_loop3A_154 : i32 to index
        %parallel_loop3A_202 = arith.constant 48 : index
        %parallel_loop3A_203 = tpu.vector_load %arg6[%parallel_loop3A_201, %parallel_loop3A_202] {strides = array<i32>} : memref<200x128xf32, #tpu.memory_space<vmem>>, vector<1x16xf32>,
        %parallel_loop3A_204 = vector.shape_cast %parallel_loop3A_203 : vector<1x16xf32> to vector<16xf32>
        %parallel_loop3A_205 = arith.addf %parallel_loop3A_200, %parallel_loop3A_204 : vector<16xf32>
        %parallel_loop3A_206 = arith.index_cast %parallel_loop3A_154 : i32 to index
        %parallel_loop3A_207 = arith.constant 48 : index
        %parallel_loop3A_208 = tpu.vector_load %arg12[%parallel_loop3A_206, %parallel_loop3A_207] {strides = array<i32>} : memref<200x128xf32, #tpu.memory_space<vmem>>, vector<1x16xf32>,
        %parallel_loop3A_209 = vector.shape_cast %parallel_loop3A_208 : vector<1x16xf32> to vector<16xf32>
        %parallel_loop3A_210 = vector.shape_cast %parallel_loop3A_205 : vector<16xf32> to vector<1x16xf32>
        tpu.vector_store %arg12[%parallel_loop3A_206, %parallel_loop3A_207], %parallel_loop3A_210 {strides = array<i32>} : memref<200x128xf32, #tpu.memory_space<vmem>>, vector<1x16xf32>,
        %parallel_loop3A_211 = arith.index_cast %parallel_loop3A_154 : i32 to index
        %parallel_loop3A_212 = arith.constant 64 : index
        %parallel_loop3A_213 = tpu.vector_load %arg10[%parallel_loop3A_211, %parallel_loop3A_212] {strides = array<i32>} : memref<200x128xf32, #tpu.memory_space<vmem>>, vector<1x16xf32>,
        %parallel_loop3A_214 = vector.shape_cast %parallel_loop3A_213 : vector<1x16xf32> to vector<16xf32>
        %parallel_loop3A_215 = arith.index_cast %parallel_loop3A_154 : i32 to index
        %parallel_loop3A_216 = arith.constant 64 : index
        %parallel_loop3A_217 = tpu.vector_load %arg6[%parallel_loop3A_215, %parallel_loop3A_216] {strides = array<i32>} : memref<200x128xf32, #tpu.memory_space<vmem>>, vector<1x16xf32>,
        %parallel_loop3A_218 = vector.shape_cast %parallel_loop3A_217 : vector<1x16xf32> to vector<16xf32>
        %parallel_loop3A_219 = arith.addf %parallel_loop3A_214, %parallel_loop3A_218 : vector<16xf32>
        %parallel_loop3A_220 = arith.index_cast %parallel_loop3A_154 : i32 to index
        %parallel_loop3A_221 = arith.constant 64 : index
        %parallel_loop3A_222 = tpu.vector_load %arg12[%parallel_loop3A_220, %parallel_loop3A_221] {strides = array<i32>} : memref<200x128xf32, #tpu.memory_space<vmem>>, vector<1x16xf32>,
        %parallel_loop3A_223 = vector.shape_cast %parallel_loop3A_222 : vector<1x16xf32> to vector<16xf32>
        %parallel_loop3A_224 = vector.shape_cast %parallel_loop3A_219 : vector<16xf32> to vector<1x16xf32>
        tpu.vector_store %arg12[%parallel_loop3A_220, %parallel_loop3A_221], %parallel_loop3A_224 {strides = array<i32>} : memref<200x128xf32, #tpu.memory_space<vmem>>, vector<1x16xf32>,
        %parallel_loop3A_225 = arith.index_cast %parallel_loop3A_154 : i32 to index
        %parallel_loop3A_226 = arith.constant 80 : index
        %parallel_loop3A_227 = tpu.vector_load %arg10[%parallel_loop3A_225, %parallel_loop3A_226] {strides = array<i32>} : memref<200x128xf32, #tpu.memory_space<vmem>>, vector<1x16xf32>,
        %parallel_loop3A_228 = vector.shape_cast %parallel_loop3A_227 : vector<1x16xf32> to vector<16xf32>
        %parallel_loop3A_229 = arith.index_cast %parallel_loop3A_154 : i32 to index
        %parallel_loop3A_230 = arith.constant 80 : index
        %parallel_loop3A_231 = tpu.vector_load %arg6[%parallel_loop3A_229, %parallel_loop3A_230] {strides = array<i32>} : memref<200x128xf32, #tpu.memory_space<vmem>>, vector<1x16xf32>,
        %parallel_loop3A_232 = vector.shape_cast %parallel_loop3A_231 : vector<1x16xf32> to vector<16xf32>
        %parallel_loop3A_233 = arith.addf %parallel_loop3A_228, %parallel_loop3A_232 : vector<16xf32>
        %parallel_loop3A_234 = arith.index_cast %parallel_loop3A_154 : i32 to index
        %parallel_loop3A_235 = arith.constant 80 : index
        %parallel_loop3A_236 = tpu.vector_load %arg12[%parallel_loop3A_234, %parallel_loop3A_235] {strides = array<i32>} : memref<200x128xf32, #tpu.memory_space<vmem>>, vector<1x16xf32>,
        %parallel_loop3A_237 = vector.shape_cast %parallel_loop3A_236 : vector<1x16xf32> to vector<16xf32>
        %parallel_loop3A_238 = vector.shape_cast %parallel_loop3A_233 : vector<16xf32> to vector<1x16xf32>
        tpu.vector_store %arg12[%parallel_loop3A_234, %parallel_loop3A_235], %parallel_loop3A_238 {strides = array<i32>} : memref<200x128xf32, #tpu.memory_space<vmem>>, vector<1x16xf32>,
        %parallel_loop3A_239 = arith.index_cast %parallel_loop3A_154 : i32 to index
        %parallel_loop3A_240 = arith.constant 96 : index
        %parallel_loop3A_241 = tpu.vector_load %arg10[%parallel_loop3A_239, %parallel_loop3A_240] {strides = array<i32>} : memref<200x128xf32, #tpu.memory_space<vmem>>, vector<1x16xf32>,
        %parallel_loop3A_242 = vector.shape_cast %parallel_loop3A_241 : vector<1x16xf32> to vector<16xf32>
        %parallel_loop3A_243 = arith.index_cast %parallel_loop3A_154 : i32 to index
        %parallel_loop3A_244 = arith.constant 96 : index
        %parallel_loop3A_245 = tpu.vector_load %arg6[%parallel_loop3A_243, %parallel_loop3A_244] {strides = array<i32>} : memref<200x128xf32, #tpu.memory_space<vmem>>, vector<1x16xf32>,
        %parallel_loop3A_246 = vector.shape_cast %parallel_loop3A_245 : vector<1x16xf32> to vector<16xf32>
        %parallel_loop3A_247 = arith.addf %parallel_loop3A_242, %parallel_loop3A_246 : vector<16xf32>
        %parallel_loop3A_248 = arith.index_cast %parallel_loop3A_154 : i32 to index
        %parallel_loop3A_249 = arith.constant 96 : index
        %parallel_loop3A_250 = tpu.vector_load %arg12[%parallel_loop3A_248, %parallel_loop3A_249] {strides = array<i32>} : memref<200x128xf32, #tpu.memory_space<vmem>>, vector<1x16xf32>,
        %parallel_loop3A_251 = vector.shape_cast %parallel_loop3A_250 : vector<1x16xf32> to vector<16xf32>
        %parallel_loop3A_252 = vector.shape_cast %parallel_loop3A_247 : vector<16xf32> to vector<1x16xf32>
        tpu.vector_store %arg12[%parallel_loop3A_248, %parallel_loop3A_249], %parallel_loop3A_252 {strides = array<i32>} : memref<200x128xf32, #tpu.memory_space<vmem>>, vector<1x16xf32>,
        %parallel_loop3A_253 = arith.index_cast %parallel_loop3A_154 : i32 to index
        %parallel_loop3A_254 = arith.constant 112 : index
        %parallel_loop3A_255 = tpu.vector_load %arg10[%parallel_loop3A_253, %parallel_loop3A_254] {strides = array<i32>} : memref<200x128xf32, #tpu.memory_space<vmem>>, vector<1x16xf32>,
        %parallel_loop3A_256 = vector.shape_cast %parallel_loop3A_255 : vector<1x16xf32> to vector<16xf32>
        %parallel_loop3A_257 = arith.index_cast %parallel_loop3A_154 : i32 to index
        %parallel_loop3A_258 = arith.constant 112 : index
        %parallel_loop3A_259 = tpu.vector_load %arg6[%parallel_loop3A_257, %parallel_loop3A_258] {strides = array<i32>} : memref<200x128xf32, #tpu.memory_space<vmem>>, vector<1x16xf32>,
        %parallel_loop3A_260 = vector.shape_cast %parallel_loop3A_259 : vector<1x16xf32> to vector<16xf32>
        %parallel_loop3A_261 = arith.addf %parallel_loop3A_256, %parallel_loop3A_260 : vector<16xf32>
        %parallel_loop3A_262 = arith.index_cast %parallel_loop3A_154 : i32 to index
        %parallel_loop3A_263 = arith.constant 112 : index
        %parallel_loop3A_264 = tpu.vector_load %arg12[%parallel_loop3A_262, %parallel_loop3A_263] {strides = array<i32>} : memref<200x128xf32, #tpu.memory_space<vmem>>, vector<1x16xf32>,
        %parallel_loop3A_265 = vector.shape_cast %parallel_loop3A_264 : vector<1x16xf32> to vector<16xf32>
        %parallel_loop3A_266 = vector.shape_cast %parallel_loop3A_261 : vector<16xf32> to vector<1x16xf32>
        tpu.vector_store %arg12[%parallel_loop3A_262, %parallel_loop3A_263], %parallel_loop3A_266 {strides = array<i32>} : memref<200x128xf32, #tpu.memory_space<vmem>>, vector<1x16xf32>,
      } {sc.loop_unroll_factor = 4 : i64, sc.parallel_access}
      %add3A_145 = arith.addi %mul3A_2, %add3A_106 : i32
      %dma_start3A_146 = arith.constant 0 : i32
      %dma_start3A_147 = arith.constant 0 : i32
      %dma_start3A_148 = tpu.memref_slice %arg5[%add3A_145, %dma_start3A_146, %dma_start3A_147] : memref<4096x200x128xf32, #tpu.memory_space<hbm>> -> memref<1x200x128xf32, #tpu.memory_space<hbm>>
      %dma_start3A_149 = tpu.memref_squeeze %dma_start3A_148 : memref<1x200x128xf32, #tpu.memory_space<hbm>> -> memref<200x128xf32, #tpu.memory_space<hbm>>
      %dma_start3A_150 = arith.constant 0 : i32
      %dma_start3A_151 = arith.constant 0 : i32
      %dma_start3A_152 = tpu.memref_slice %arg5[%add3A_145, %dma_start3A_150, %dma_start3A_151] : memref<4096x200x128xf32, #tpu.memory_space<hbm>> -> memref<1x200x128xf32, #tpu.memory_space<hbm>>
      %dma_start3A_153 = tpu.memref_squeeze %dma_start3A_152 : memref<1x200x128xf32, #tpu.memory_space<hbm>> -> memref<200x128xf32, #tpu.memory_space<hbm>>
      tpu.enqueue_dma source(%arg12 : memref<200x128xf32, #tpu.memory_space<vmem>>) target(%dma_start3A_153 : memref<200x128xf32, #tpu.memory_space<hbm>>) target_semaphore(%arg18 : memref<!tpu.dma_semaphore, #tpu.memory_space<semaphore_mem>>)
    }
    %scan3A_41 = arith.constant 64 : i32
    %dma_wait3A_42 = arith.constant 0 : i32
    %dma_wait3A_43 = arith.constant 0 : i32
    %dma_wait3A_44 = tpu.memref_slice %arg5[%mul3A_2, %dma_wait3A_42, %dma_wait3A_43] : memref<4096x200x128xf32, #tpu.memory_space<hbm>> -> memref<1x200x128xf32, #tpu.memory_space<hbm>>
    %dma_wait3A_45 = tpu.memref_squeeze %dma_wait3A_44 : memref<1x200x128xf32, #tpu.memory_space<hbm>> -> memref<200x128xf32, #tpu.memory_space<hbm>>
    %dma_wait3A_46 = arith.constant 0 : i32
    %dma_wait3A_47 = arith.constant 0 : i32
    %dma_wait3A_48 = tpu.memref_slice %arg5[%mul3A_2, %dma_wait3A_46, %dma_wait3A_47] : memref<4096x200x128xf32, #tpu.memory_space<hbm>> -> memref<1x200x128xf32, #tpu.memory_space<hbm>>
    %dma_wait3A_49 = tpu.memref_squeeze %dma_wait3A_48 : memref<1x200x128xf32, #tpu.memory_space<hbm>> -> memref<200x128xf32, #tpu.memory_space<hbm>>
    tpu.wait_dma2 semaphore(%arg17 : memref<!tpu.dma_semaphore, #tpu.memory_space<semaphore_mem>>) src(%arg11 : memref<200x128xf32, #tpu.memory_space<vmem>>) dst(%dma_wait3A_49 : memref<200x128xf32, #tpu.memory_space<hbm>>)
    %dma_wait3A_50 = arith.constant 0 : i32
    %dma_wait3A_51 = arith.constant 0 : i32
    %dma_wait3A_52 = tpu.memref_slice %arg5[%mul3A_2, %dma_wait3A_50, %dma_wait3A_51] : memref<4096x200x128xf32, #tpu.memory_space<hbm>> -> memref<1x200x128xf32, #tpu.memory_space<hbm>>
    %dma_wait3A_53 = tpu.memref_squeeze %dma_wait3A_52 : memref<1x200x128xf32, #tpu.memory_space<hbm>> -> memref<200x128xf32, #tpu.memory_space<hbm>>
    %dma_wait3A_54 = arith.constant 0 : i32
    %dma_wait3A_55 = arith.constant 0 : i32
    %dma_wait3A_56 = tpu.memref_slice %arg5[%mul3A_2, %dma_wait3A_54, %dma_wait3A_55] : memref<4096x200x128xf32, #tpu.memory_space<hbm>> -> memref<1x200x128xf32, #tpu.memory_space<hbm>>
    %dma_wait3A_57 = tpu.memref_squeeze %dma_wait3A_56 : memref<1x200x128xf32, #tpu.memory_space<hbm>> -> memref<200x128xf32, #tpu.memory_space<hbm>>
    tpu.wait_dma2 semaphore(%arg18 : memref<!tpu.dma_semaphore, #tpu.memory_space<semaphore_mem>>) src(%arg12 : memref<200x128xf32, #tpu.memory_space<vmem>>) dst(%dma_wait3A_57 : memref<200x128xf32, #tpu.memory_space<hbm>>)
    return
  }
}

</mosaic_0001>

<sc_bundles>
// kernel: kernel.3.cloned.1.call-start
scs
__scs_entry_jumppad:
0x0: {  	(pc) =	sbr.rel $0x88, $3  }
0x1: {  	(tag) =	ssettag $0x0;
	lr =	simm.s32 $0x1  }
0x2: {  	[smem:$0x3F9E] =	sst lr;
	_ =	strace $0xD0000000  }
0x3: {  	_ = 	snop  }
0x4: {  	_ = 	snop  }
0x5: {  	_ = 	snop  }
0x6: {  	_ = 	snop  }
0x7: {  	_ = 	snop  }
__scs_overlays_trampoline_lowered:
0x8: {  	[smem:$0x3FAD] =	sst s0  }
0x9: {  	[smem:$0x3FAE] =	sst s1  }
0xa: {  	[smem:$0x3FAF] =	sst s2  }
0xb: {  	[smem:$0x3FB0] =	sst s3  }
0xc: {  	[smem:$0x3FB1] =	sst s4  }
0xd: {  	[smem:$0x3FB2] =	sst s5  }
0xe: {  	[smem:$0x3FB3] =	sst s6  }
0xf: {  	[smem:$0x3FB4] =	sst s7  }
0x10: {  	[smem:$0x3FB5] =	sst s8  }
0x11: {  	[smem:$0x3FB6] =	sst s9;
	s0 =	simm.s32 @!p0 $0x0  }
0x12: {  	s1 =	sld [smem:$0x3F9C];
	s0 =	simm.s32 @p0 $0x1  }
0x13: {  	[smem:$0x3FB7] =	sst s0;
	s0 =	simm.s32 @!p1 $0x0  }
0x14: {  	s2 =	sld [smem:$0x3F9B];
	s0 =	simm.s32 @p1 $0x1  }
0x15: {  	[smem:$0x3FB8] =	sst s0;
	s0 =	simm.s32 @!p2 $0x0  }
0x16: {  	s3 =	sld [smem:$0x3FDB];
	s0 =	simm.s32 @p2 $0x1  }
0x17: {  	s4 =	simm.s32 $0x1BF5;
	[smem:$0x3FBA] =	sst s0  }
0x18: {  	s0 =	sld [smem:$0x3F9D];
	_ =	swait.ge [sflag:s4], $0x0  }
0x19: {  	s7 =	sld [smem:$0x3F9E]  }
0x1a: {  	s8 =	sadd.s32 $0xFFFFE003, lr  }
0x1b: {  	s9 =	sadd.s32 $0xFFFFFEF7, lr;
	s5 =	simm.s32 $0xFFFFFFFF;
	p2 =	slt.u32 s8, $0xFFFFF086  }
0x1c: {  	p1 =	slt.u32 s9, $0xF7A;
	s5 =	simm.s32 @!p2 $0x0  }
0x1d: {  	s5 =	simm.s32 @p1 $0x1;
	p0 =	seq.s32 s7, s2  }
0x1e: {  	s7 =	smul.u32 @!p0 $0xF7A, s2;
	p2 =	seq.s32 @!p0 s5, $0x0  }
0x1f: {  	s9 =	smul.u32 $0xF7A, s1;
	s8 =	simm.s32 @!p0 $0x1BF5;
	p2 =	por !p2, p0  }
0x20: {  	[sflag:s8] =	ssyncset.s32 @!p0 $0xFFFFF086;
	s6 =	sadd.s32 @!p0 s3, s7;
	s7 =	simm.s32 @!p0 $0x108  }
0x21: {  	s3 =	sadd.s32 s3, s9;
	s6 =	sadd.s32 @!p0 $0x88, s6;
	s7 =	simm.s32 @p2 $0x1082  }
0x22: {  	[simem:s7], [sflag:s8] =	dma.local @!p0 [hbm:s6], $0xF7A  }
0x23: {  	s9 =	sor.u32 $0xD0000000, s2;
	s6 =	simm.s32 $0x108;
	_ =	swait.ge @!p0 [sflag:s8], $0x0  }
0x24: {  	s3 =	sadd.s32 $0x88, s3;
	s6 =	simm.s32 @!p1 $0x1082;
	[sflag:s4] =	ssyncset.s32 $0xFFFFF086  }
0x25: {  	[simem:s6], [sflag:s4] =	dma.local [hbm:s3], $0xF7A  }
0x26: {  	[smem:$0x3F9E] =	sst s1;
	(tag) =	ssettag s2;
	_ =	strace s9  }
0x27: {  	s1 =	sld [smem:$0x3FAE]  }
0x28: {  	s2 =	sld [smem:$0x3FAF]  }
0x29: {  	s4 =	sld [smem:$0x3FB1]  }
0x2a: {  	p0 =	seq.s32 s5, $0x0;
	s5 =	sld [smem:$0x3FB2]  }
0x2b: {  	s6 =	sld [smem:$0x3FB3]  }
0x2c: {  	s7 =	sld [smem:$0x3FB4]  }
0x2d: {  	s3 =	simm.s32 $0x108;
	s8 =	sld [smem:$0x3FB5]  }
0x2e: {  	s3 =	simm.s32 @!p0 $0x1082;
	s9 =	sld [smem:$0x3FB6]  }
0x2f: {  	lr =	sadd.s32 s0, s3;
	s0 =	sld [smem:$0x3FAD]  }
0x30: {  	s3 =	sld [smem:$0x3FB0]  }
0x31: {  	[smem:$0x3FB9] =	sst s10  }
0x32: {  	s10 =	sld [smem:$0x3FB7];
	_ =	sdelay $0x3  }
0x33: {  	p0 =	seq.s32 s10, $0x1;
	s10 =	sld [smem:$0x3FB9];
	_ =	sdelay $0x3  }
0x34: {  	[smem:$0x3FB9] =	sst s10  }
0x35: {  	s10 =	sld [smem:$0x3FB8];
	_ =	sdelay $0x3  }
0x36: {  	p1 =	seq.s32 s10, $0x1;
	s10 =	sld [smem:$0x3FB9];
	_ =	sdelay $0x3  }
0x37: {  	[smem:$0x3FB9] =	sst s10  }
0x38: {  	s10 =	sld [smem:$0x3FBA]  }
0x39: {  	_ = 	snop;
	(pc) =	sbr.ind lr, $3  }
0x3a: {  	_ = 	snop  }
0x3b: {  	_ = 	snop  }
0x3c: {  	p2 =	seq.s32 s10, $0x1;
	s10 =	sld [smem:$0x3FB9]  }
0x3d: {  	_ =	shalt  }
0x3e: {  	_ =	shalt  }
0x3f: {  	_ =	shalt  }
0x40: {  	_ =	shalt  }
0x41: {  	_ =	shalt  }
0x42: {  	_ =	shalt  }
0x43: {  	_ =	shalt  }
0x44: {  	_ =	shalt  }
0x45: {  	_ =	shalt  }
0x46: {  	_ =	shalt  }
0x47: {  	_ =	shalt  }
0x48: {  	_ =	shalt  }
0x49: {  	_ =	shalt  }
0x4a: {  	_ =	shalt  }
0x4b: {  	_ =	shalt  }
0x4c: {  	_ =	shalt  }
0x4d: {  	_ =	shalt  }
0x4e: {  	_ =	shalt  }
0x4f: {  	_ =	shalt  }
0x50: {  	_ =	shalt  }
0x51: {  	_ =	shalt  }
0x52: {  	_ =	shalt  }
0x53: {  	_ =	shalt  }
0x54: {  	_ =	shalt  }
0x55: {  	_ =	shalt  }
0x56: {  	_ =	shalt  }
0x57: {  	_ =	shalt  }
0x58: {  	_ =	shalt  }
0x59: {  	_ =	shalt  }
0x5a: {  	_ =	shalt  }
0x5b: {  	_ =	shalt  }
0x5c: {  	_ =	shalt  }
0x5d: {  	_ =	shalt  }
0x5e: {  	_ =	shalt  }
0x5f: {  	_ =	shalt  }
0x60: {  	_ =	shalt  }
0x61: {  	_ =	shalt  }
0x62: {  	_ =	shalt  }
0x63: {  	_ =	shalt  }
0x64: {  	_ =	shalt  }
0x65: {  	_ =	shalt  }
0x66: {  	_ =	shalt  }
0x67: {  	_ =	shalt  }
0x68: {  	_ =	shalt  }
0x69: {  	_ =	shalt  }
0x6a: {  	_ =	shalt  }
0x6b: {  	_ =	shalt  }
0x6c: {  	_ =	shalt  }
0x6d: {  	_ =	shalt  }
0x6e: {  	_ =	shalt  }
0x6f: {  	_ =	shalt  }
0x70: {  	_ =	shalt  }
0x71: {  	_ =	shalt  }
0x72: {  	_ =	shalt  }
0x73: {  	_ =	shalt  }
0x74: {  	_ =	shalt  }
0x75: {  	_ =	shalt  }
0x76: {  	_ =	shalt  }
0x77: {  	_ =	shalt  }
0x78: {  	_ =	shalt  }
0x79: {  	_ =	shalt  }
0x7a: {  	_ =	shalt  }
0x7b: {  	_ =	shalt  }
0x7c: {  	_ =	shalt  }
0x7d: {  	_ =	shalt  }
0x7e: {  	_ =	shalt  }
0x7f: {  	_ =	shalt  }
0x80: {  	_ =	shalt  }
0x81: {  	_ =	shalt  }
0x82: {  	_ =	shalt  }
0x83: {  	_ =	shalt  }
0x84: {  	_ =	shalt  }
0x85: {  	_ =	shalt  }
0x86: {  	_ =	shalt  }
0x87: {  	_ =	shalt  }
.Lfunc_end0:
.L_simem_size_0:
called_computation_lowered:
.L_overlay_start_0:
0x88: {  	s2 =	sld [smem:$0x3FD9]  }
0x89: {  	s3 =	sld [smem:$0x3FFE];
	_ =	sdelay $0x1  }
0x8a: {  	s1 =	srdreg.scid  }
0x8b: {  	s0 =	sand.u32 $0x1, s1  }
0x8c: {  	s17 =	sshll.u32 s0, $0xA;
	s2 =	sadd.s32 s3, s2  }
0x8d: {  	s2 =	sadd.s32 s2, s17  }
0x8e: {  	[smem:$0x3FC5] =	sst s2  }
0x8f: {  	_ = 	snop  }
0x90: {  	s2 =	sld [smem:$0x3FC8]  }
0x91: {  	s18 =	sld [smem:$0x3FC7]  }
0x92: {  	s4 =	sld [smem:$0x3FD0];
	(tm) =	ssettm $0x1  }
0x93: {  	s5 =	sld [smem:$0x3FFB];
	_ =	sdelay $0x3  }
0x94: {  	_ =	strace s5  }
0x95: {  	s5 =	sld [smem:$0x3FFC];
	_ =	sdelay $0x3  }
0x96: {  	_ =	strace s5  }
0x97: {  	s5 =	sld [smem:$0x3FFD];
	_ =	sdelay $0x3  }
0x98: {  	_ =	strace s5  }
0x99: {  	_ =	strace $0x8FFFFFFF  }
0x9a: {  	s19 =	sld [smem:$0x3FDB];
	_ =	sdelay $0x1  }
0x9b: {  	s6 =	simm.s32 $_scs_section_size  }
0x9c: {  	s7 =	simm.s32 $_size__tile_overlayer_lowered;
	s8 =	simm.s32 $_tile_overlayer_lowered  }
0x9d: {  	s22 =	simm.s32 $0x1BFF;
	s21 =	sshll.u32 s8, $0x1;
	s5 =	sadd.s32 s6, s19  }
0x9e: {  	s9 =	simm.s32 $0x0;
	s20 =	sshll.u32 s7, $0x1;
	s7 =	sadd.s32 s21, s5  }
0x9f: {  	[timem:s9], [sflag:s22] =	dma.local [hbm:s7], s20  }
0xa0: {  	_ =	swait.ge [sflag:s22], s20  }
0xa1: {  	s6 =	ssub.s32 $0x0, s20;
	[sflag:s22] =	ssyncset.done $0x0  }
0xa2: {  	[sflag:s22] =	ssyncadd.s32 s6;
	_ =	sdelay $0x1  }
0xa3: {  	s23 =	simm.s32 $0x1B8B  }
0xa4: {  	_ =	swait.ge [sflag:s23], $0x1  }
0xa5: {  	[sflag:s23] =	ssyncset.done $0x0  }
0xa6: {  	s25 =	simm.s32 $0x1B8E;
	s24 =	sld [smem:$0x3FFE];
	[sflag:s23] =	ssyncadd.s32 $0xFFFFFFFF  }
0xa7: {  	s26 =	simm.s32 $execute0_lowered;
	[smem:$0x3FD2] =	sst s25  }
0xa8: {  	s7 =	sshll.u32 s26, $0x1;
	_ =	strace $0x80000046;
	[dreg:$0x1] =	wrdreg $0xFFFFFFFF  }
0xa9: {  	s28 =	simm.s32 $_size_execute0_lowered;
	s5 =	sadd.s32 s5, s7;
	[dreg:$0x0] =	wrdreg $0x0  }
0xaa: {  	s7 =	sshll.u32 s28, $0x1;
	[dreg:$0x2] =	wrdreg s5  }
0xab: {  	[dreg:$0x3] =	wrdreg s7  }
0xac: {  	[dreg:$0x4] =	wrdreg $0xC0  }
0xad: {  	_ =	task [dreg:s9], $0x5FFFF  }
0xae: {  	[dreg:$0x1] =	wrdreg $0xFFFFFFFF  }
0xaf: {  	[dreg:$0x0] =	wrdreg $0x60  }
0xb0: {  	[dreg:$0x2] =	wrdreg s24  }
0xb1: {  	[dreg:$0x3] =	wrdreg s18  }
0xb2: {  	[dreg:$0x4] =	wrdreg s2  }
0xb3: {  	[dreg:$0x5] =	wrdreg s4  }
0xb4: {  	[dreg:$0x6] =	wrdreg $0x9  }
0xb5: {  	_ =	task.clear_ibuf [dreg:s9], $0x7FFFF;
	_ =	strace $0x90000046  }
0xb6: {  	s29 =	simm.s32 $0x9;
	_ =	strace $0x80000048  }
0xb7: {  	_ =	swait.ge [sflag:s29], $0x1  }
0xb8: {  	[sflag:s29] =	ssyncadd.s32 $0xFFFFFFFF  }
0xb9: {  	_ =	strace $0x90000048  }
0xba: {  	_ =	sfence  }
0xbb: {  	s30 =	sld [smem:$0x0];
	_ =	sdelay $0x2  }
0xbc: {  	s31 =	sshll.u32 s1, $0xD;
	s1 =	sshrl.u32 s1, $0x2  }
0xbd: {  	s3 =	sand.u32 $0x4000, s31;
	s1 =	sadd.s32 s1, s30  }
0xbe: {  	s0 =	sor.u32 s3, s0;
	s1 =	sshll.u32 s1, $0x11  }
0xbf: {  	s0 =	sor.u32 s1, s0  }
0xc0: {  	s0 =	sadd.s32 $0x8F2B, s0  }
0xc1: {  	[sflag:s0] =	ssyncadd.remote.s32 $0x1  }
0xc2: {  	_ =	sfence.sel $0xFFFF  }
0xc3: {  	[dreg:$0x0] =	wrdreg $0xFFFFFFFF;
	(pc) =	sbr.abs _section_cstart, $3  }
0xc4: {  	[dreg:$0x1] =	wrdreg $0xFFFFFFFF  }
0xc5: {  	_ =	task.clear_ibuf [dreg:s9], $0x2FFFF;
	_ =	strace $0x9FFFFFFF  }
0xc6: {  	(tm) =	ssettm $0x7FFFFFFF  }
0xc7: {  	_ =	shalt  }
tec
execute0_lowered:
.L_overlay_start_1:
0x0: {  	(tag) =	ssettag $0x1  }
0x1: {  	s0 =	rddreg [dreg:$0x0]  }
0x2: {  	s3 =	rddreg [dreg:$0x2]  }
0x3: {  	s4 =	rddreg [dreg:$0x3];
	s1 =	srdreg.scid  }
0x4: {  	s2 =	stileid.u32;
	s5 =	simm.s32 $0x0;
	s13 =	simm.s32 $0x400  }
0x5: {  	s14 =	simm.s32 $0x6400;
	s15 =	simm.s32 $0x1;
	s16 =	simm.s32 $0x68  }
0x6: {  	s18 =	simm.s32 $0x60;
	s21 =	simm.s32 $0x6500;
	s22 =	simm.s32 $0x2  }
0x7: {  	s23 =	simm.s32 $0xCA00;
	s24 =	simm.s32 $0x6568;
	s28 =	simm.s32 $0x12E00  }
0x8: {  	s29 =	simm.s32 $0x4;
	s30 =	simm.s32 $0x6;
	s1 =	sand.u32 $0x1, s1  }
0x9: {  	s31 =	simm.s32 $0x19200;
	s2 =	sshll.u32 s2, $0x8;
	s6 =	sshll.u32 s1, $0x7  }
0xa: {  	[smem:$0x7FF] =	sst s5;
	s1 =	ssub.s32 $0x2, s1;
	s6 =	sor.u32 s6, s2  }
0xb: {  	s7 =	sadd.s32 $0x400, s0;
	s25 =	sshrl.u32 s1, $0x1;
	s2 =	sshll.u32 s6, $0x5  }
0xc: {  	_ =	strace $0x80000047;
	s0 =	ssub.s32 s1, s25;
	s26 =	sadd.s32 s7, s2  }
0xd: {  	s25 =	simm.s32 $0xFE00;
	s0 =	smax.u32 s0, $0x1;
	[dreg:$0x5] =	wrdreg s26  }
0xe: {  	s2 =	simm.s32 $0x0;
	s1 =	sadd.s32 $0x10, s26;
	[dreg:$0x7] =	wrdreg s0  }
0xf: {  	s26 =	simm.s32 $0x3;
	s0 =	simm.s32 $0x5;
	[dreg:$0x6] =	wrdreg s1  }
.LBB2_1:
0x10: {  	[dreg:$0x8] =	wrdreg s2  }
0x11: {  	s1 =	rddreg [dreg:$0x1];
	s10 =	simm.s32 $0x7  }
0x12: {  	[tilespmem:s5], [sflag:$0x7] =	stream.linear.gather [hbm4b:s1+s5], $0x6400, $0x38;
	[tilespmem:$0x1F600] =	vst v63  }
0x13: {  	_ =	swait.ge [sflag:s10], $0x6400  }
0x14: {  	[sflag:s10] =	ssyncset.done $0x0  }
0x15: {  	s12 =	simm.s32 $0x80;
	s11 =	rddreg [dreg:$0x5];
	[sflag:s10] =	ssyncadd.s32 $0xFFFF9C00  }
0x16: {  	[tilespmem:s14], [sflag:$0x1] =	stream.strided.gather [hbm4b:s11+s12], $0x100, s13, s12, $0x38;
	[tilespmem:$0x1F600] =	vst v63  }
0x17: {  	_ =	swait.ge [sflag:s15], $0x100  }
0x18: {  	[sflag:s15] =	ssyncset.done $0x0  }
0x19: {  	s17 =	simm.s32 $0x6600;
	[sflag:s15] =	ssyncadd.s32 $0xFFFFFF00  }
0x1a: {  	[tilespmem:s17], [sflag:$0x3] =	stream.indirect.gather [hbm4b:s3+s16], $0x80, s14, s16, $0xb8;
	[tilespmem:$0x1F600] =	vst v63  }
0x1b: {  	s19 =	simm.s32 $0x6468;
	s8 =	simm.s32 $0x9A00  }
0x1c: {  	[tilespmem:s8], [sflag:$0x3] =	stream.indirect.gather [hbm4b:s3+s18], $0x80, s19, s18, $0xb8;
	[tilespmem:$0x1F600] =	vst v63  }
0x1d: {  	s1 =	simm.s32 $0x0;
	s20 =	rddreg [dreg:$0x6]  }
0x1e: {  	[tilespmem:s21], [sflag:$0x2] =	stream.strided.gather [hbm4b:s20+s12], $0x100, s13, s12, $0x38;
	[tilespmem:$0x1F600] =	vst v63  }
.LBB2_2:
0x1f: {  	_ =	swait.ge [sflag:s22], $0x100  }
0x20: {  	[sflag:s22] =	ssyncset.done $0x0  }
0x21: {  	s10 =	sshll.u32 s1, $0x1;
	p0 =	seq.s32 s1, $0x3F;
	[sflag:s22] =	ssyncadd.s32 $0xFFFFFF00  }
0x22: {  	[tilespmem:s23], [sflag:$0x4] =	stream.indirect.gather [hbm4b:s3+s16], $0x80, s21, s16, $0xb8;
	[tilespmem:$0x1F600] =	vst v63  }
0x23: {  	s2 =	sor.u32 @!p0 s6, s10;
	s9 =	simm.s32 @!p0 $0x400  }
0x24: {  	[tilespmem:s25], [sflag:$0x4] =	stream.indirect.gather [hbm4b:s3+s18], $0x80, s24, s18, $0xb8;
	[tilespmem:$0x1F600] =	vst v63  }
0x25: {  	s11 =	simm.s32 @!p0 $0x6400;
	p1 =	seq.s32 @!p0 s1, $0x0;
	_ =	swait.ge [sflag:s26], $0x3400  }
0x26: {  	s2 =	sadd.s32 @!p0 $0x2, s2;
	p1 =	por p0, !p1;
	[sflag:s26] =	ssyncset.done $0x0  }
.Ltmp0:
0x27: {  	s8 =	sshll.u32 @!p0 s2, $0x4;
	[sflag:s26] =	ssyncadd.s32 $0xFFFFCC00;
	(pc) =	sbr.rel @!p1 .LBB2_3-.Ltmp0, $4  }
0x28: {  	s2 =	sshll.u32 @!p0 s2, $0x5;
	s8 =	sand.u32 @!p0 $0x60, s8;
	_ =	swait.ge [sflag:s26], $0x3000  }
0x29: {  	s2 =	sand.u32 @!p0 $0xFFFFF00, s2;
	s8 =	sadd.s32 @!p0 s7, s8;
	[sflag:s26] =	ssyncset.done $0x0  }
0x2a: {  	s2 =	sadd.s32 @!p0 s2, s8;
	s8 =	simm.s32 @!p0 $0x80;
	[sflag:s26] =	ssyncadd.s32 $0xFFFFD000  }
0x2b: {  	[tilespmem:s11], [sflag:$0x1] =	stream.strided.gather @!p0 [hbm4b:s2+s8], $0x100, s9, s8, $0x38;
	[tilespmem:$0x1F600] =	vst v63  }
.Ltmp1:
0x2c: {  	(pc) =	sbr.rel .LBB2_5-.Ltmp1, $4  }
0x2d: {  	_ = 	snop  }
0x2e: {  	_ =	swait.ge [sflag:s0], $0x6400  }
0x2f: {  	[sflag:s0] =	ssyncset.done $0x0  }
0x30: {  	p1 =	por $0x0, $0x0;
	[sflag:s0] =	ssyncadd.s32 $0xFFFF9C00  }
.LBB2_3:
0x31: {  	p1 =	por @!p0 $0x1, $0x1  }
.LBB2_5:
0x32: {  	s8 =	simm.s32 $0x6700  }
0x33: {  	s11 =	simm.s32 $0x100;
	v0 =	vld [tilespmem:s8+$0x80]  }
0x34: {  	v1 =	vld [tilespmem:s11+$0x80];
	_ =	sdelay $0x2  }
0x35: {  	v2 =	vld [tilespmem:s8+$0xFFFFFF80]  }
0x36: {  	v3 =	vld [tilespmem:s11+$0xFFFFFF80]  }
0x37: {  	v4 =	vld [tilespmem:s11+$0xFFFFFF00];
	v0 =	vadd.f32 v1, v0  }
0x38: {  	s2 =	simm.s32 $0x12F00;
	v1 =	vld [tilespmem:s8+$0xFFFFFF00]  }
0x39: {  	[tilespmem:s2+$0x80] =	vst v0  }
0x3a: {  	v0 =	vld [tilespmem:s8+$0x90]  }
0x3b: {  	v2 =	vadd.f32 v3, v2;
	v3 =	vld [tilespmem:s11+$0x90]  }
0x3c: {  	v5 =	vld [tilespmem:s8+$0x0]  }
0x3d: {  	v6 =	vld [tilespmem:s11+$0x0];
	[tilespmem:s2+$0xFFFFFF80] =	vst v2;
	v1 =	vadd.f32 v4, v1  }
0x3e: {  	v2 =	vld [tilespmem:s8+$0xFFFFFF90]  }
0x3f: {  	v4 =	vld [tilespmem:s11+$0xFFFFFF90];
	[tilespmem:s2+$0xFFFFFF00] =	vst v1  }
0x40: {  	v1 =	vld [tilespmem:s8+$0xFFFFFF10];
	v0 =	vadd.f32 v3, v0  }
0x41: {  	v3 =	vld [tilespmem:s11+$0xFFFFFF10]  }
0x42: {  	v5 =	vadd.f32 v6, v5;
	[tilespmem:s2+$0x90] =	vst v0  }
0x43: {  	v0 =	vld [tilespmem:s8+$0xA0]  }
0x44: {  	[tilespmem:s2+$0x0] =	vst v5;
	v2 =	vadd.f32 v4, v2;
	v4 =	vld [tilespmem:s11+$0xA0]  }
0x45: {  	v5 =	vld [tilespmem:s8+$0x10]  }
0x46: {  	v6 =	vld [tilespmem:s11+$0x10];
	[tilespmem:s2+$0xFFFFFF90] =	vst v2;
	v1 =	vadd.f32 v3, v1  }
0x47: {  	v2 =	vld [tilespmem:s8+$0xFFFFFFA0]  }
0x48: {  	v3 =	vld [tilespmem:s11+$0xFFFFFFA0];
	[tilespmem:s2+$0xFFFFFF10] =	vst v1  }
0x49: {  	v1 =	vld [tilespmem:s8+$0xFFFFFF20];
	v0 =	vadd.f32 v4, v0  }
0x4a: {  	v4 =	vld [tilespmem:s11+$0xFFFFFF20]  }
0x4b: {  	v5 =	vadd.f32 v6, v5;
	[tilespmem:s2+$0xA0] =	vst v0  }
0x4c: {  	v0 =	vld [tilespmem:s8+$0xB0]  }
0x4d: {  	[tilespmem:s2+$0x10] =	vst v5;
	v2 =	vadd.f32 v3, v2;
	v3 =	vld [tilespmem:s11+$0xB0]  }
0x4e: {  	v5 =	vld [tilespmem:s8+$0x20]  }
0x4f: {  	[tilespmem:s2+$0xFFFFFFA0] =	vst v2;
	v2 =	vld [tilespmem:s11+$0x20];
	v1 =	vadd.f32 v4, v1  }
0x50: {  	v4 =	vld [tilespmem:s8+$0xFFFFFFB0]  }
0x51: {  	v6 =	vld [tilespmem:s11+$0xFFFFFFB0];
	[tilespmem:s2+$0xFFFFFF20] =	vst v1  }
0x52: {  	v1 =	vld [tilespmem:s8+$0xFFFFFF30];
	v0 =	vadd.f32 v3, v0  }
0x53: {  	v3 =	vld [tilespmem:s11+$0xFFFFFF30]  }
0x54: {  	v2 =	vadd.f32 v2, v5;
	[tilespmem:s2+$0xB0] =	vst v0  }
0x55: {  	v0 =	vld [tilespmem:s8+$0xC0]  }
0x56: {  	v4 =	vadd.f32 v6, v4;
	[tilespmem:s2+$0x20] =	vst v2;
	v2 =	vld [tilespmem:s11+$0xC0]  }
0x57: {  	v5 =	vld [tilespmem:s8+$0x30]  }
0x58: {  	[tilespmem:s2+$0xFFFFFFB0] =	vst v4;
	v1 =	vadd.f32 v3, v1;
	v3 =	vld [tilespmem:s11+$0x30]  }
0x59: {  	v4 =	vld [tilespmem:s8+$0xFFFFFFC0]  }
0x5a: {  	[tilespmem:s2+$0xFFFFFF30] =	vst v1;
	v1 =	vld [tilespmem:s11+$0xFFFFFFC0]  }
0x5b: {  	v6 =	vld [tilespmem:s8+$0xFFFFFF40];
	v0 =	vadd.f32 v2, v0  }
0x5c: {  	v2 =	vld [tilespmem:s11+$0xFFFFFF40]  }
0x5d: {  	v3 =	vadd.f32 v3, v5;
	[tilespmem:s2+$0xC0] =	vst v0  }
0x5e: {  	v0 =	vld [tilespmem:s8+$0xD0]  }
0x5f: {  	v1 =	vadd.f32 v1, v4;
	[tilespmem:s2+$0x30] =	vst v3;
	v3 =	vld [tilespmem:s11+$0xD0]  }
0x60: {  	v4 =	vld [tilespmem:s8+$0x40]  }
0x61: {  	v2 =	vadd.f32 v2, v6;
	[tilespmem:s2+$0xFFFFFFC0] =	vst v1;
	v1 =	vld [tilespmem:s11+$0x40]  }
0x62: {  	v5 =	vld [tilespmem:s8+$0xFFFFFFD0]  }
0x63: {  	[tilespmem:s2+$0xFFFFFF40] =	vst v2;
	v2 =	vld [tilespmem:s11+$0xFFFFFFD0]  }
0x64: {  	v6 =	vld [tilespmem:s8+$0xFFFFFF50];
	v0 =	vadd.f32 v3, v0  }
0x65: {  	v3 =	vld [tilespmem:s11+$0xFFFFFF50]  }
0x66: {  	v1 =	vadd.f32 v1, v4;
	[tilespmem:s2+$0xD0] =	vst v0  }
0x67: {  	v7 =	vld [tilespmem:s8+$0xE0]  }
0x68: {  	v0 =	vadd.f32 v2, v5;
	v5 =	vld [tilespmem:s11+$0xE0];
	[tilespmem:s2+$0x40] =	vst v1  }
0x69: {  	v1 =	vld [tilespmem:s8+$0x50]  }
0x6a: {  	v2 =	vadd.f32 v3, v6;
	[tilespmem:s2+$0xFFFFFFD0] =	vst v0;
	v4 =	vld [tilespmem:s11+$0x50]  }
0x6b: {  	v0 =	vld [tilespmem:s8+$0xFFFFFFE0]  }
0x6c: {  	v3 =	vld [tilespmem:s11+$0xFFFFFFE0];
	[tilespmem:s2+$0xFFFFFF50] =	vst v2  }
0x6d: {  	s9 =	sshllo.u32 s1, $0x1;
	s19 =	simm.s32 $0x0;
	v2 =	vld [tilespmem:s8+$0xFFFFFF60];
	v6 =	vadd.f32 v5, v7  }
0x6e: {  	s20 =	simm.s32 $0x6900;
	s12 =	simm.s32 $0x100;
	s17 =	simm.s32 $0x12F00;
	v5 =	vld [tilespmem:s11+$0xFFFFFF60]  }
.LBB2_6:
0x6f: {  	v7 =	vld [tilespmem:s20+$0x80];
	v1 =	vadd.f32 v4, v1;
	[tilespmem:s2+$0xE0] =	vst v6  }
0x70: {  	v4 =	vld [tilespmem:s8+$0xF0]  }
0x71: {  	s12 =	sadd.s32 $0x200, s12;
	v0 =	vadd.f32 v3, v0;
	[tilespmem:s2+$0x50] =	vst v1;
	v1 =	vld [tilespmem:s11+$0xF0]  }
0x72: {  	v3 =	vld [tilespmem:s12+$0x80]  }
0x73: {  	v6 =	vld [tilespmem:s12+$0xFFFFFF00];
	v2 =	vadd.f32 v5, v2;
	[tilespmem:s2+$0xFFFFFFE0] =	vst v0  }
0x74: {  	v0 =	vld [tilespmem:s20+$0xFFFFFF80]  }
0x75: {  	v5 =	vld [tilespmem:s12+$0xFFFFFF80];
	[tilespmem:s2+$0xFFFFFF60] =	vst v2  }
0x76: {  	v2 =	vld [tilespmem:s20+$0x0];
	v1 =	vadd.f32 v1, v4  }
0x77: {  	v4 =	vld [tilespmem:s12+$0x0];
	v3 =	vadd.f32 v3, v7  }
0x78: {  	s2 =	sadd.s32 $0x200, s2;
	v7 =	vld [tilespmem:s20+$0xFFFFFF00];
	[tilespmem:s17+$0xF0] =	vst v1  }
0x79: {  	s19 =	sadd.s32 $0x4, s19;
	[tilespmem:s2+$0x80] =	vst v3;
	v1 =	vld [tilespmem:s8+$0x60]  }
0x7a: {  	p2 =	slt.u32 s19, $0xC4;
	v0 =	vadd.f32 v5, v0;
	v3 =	vld [tilespmem:s20+$0x90]  }
0x7b: {  	v5 =	vld [tilespmem:s12+$0x90]  }
0x7c: {  	[tilespmem:s2+$0xFFFFFF80] =	vst v0;
	v0 =	vadd.f32 v4, v2;
	v2 =	vld [tilespmem:s11+$0x60]  }
0x7d: {  	v4 =	vadd.f32 v6, v7;
	v6 =	vld [tilespmem:s20+$0xFFFFFF90]  }
0x7e: {  	v7 =	vld [tilespmem:s12+$0xFFFFFF90];
	[tilespmem:s2+$0x0] =	vst v0  }
0x7f: {  	[tilespmem:s2+$0xFFFFFF00] =	vst v4;
	v0 =	vld [tilespmem:s20+$0x10]  }
0x80: {  	v4 =	vld [tilespmem:s20+$0xFFFFFF10];
	v3 =	vadd.f32 v5, v3  }
0x81: {  	v5 =	vld [tilespmem:s12+$0xFFFFFF10];
	v1 =	vadd.f32 v2, v1  }
0x82: {  	v2 =	vld [tilespmem:s12+$0x10];
	[tilespmem:s2+$0x90] =	vst v3  }
0x83: {  	v3 =	vadd.f32 v7, v6;
	v6 =	vld [tilespmem:s20+$0xA0];
	[tilespmem:s17+$0x60] =	vst v1  }
0x84: {  	v1 =	vld [tilespmem:s12+$0xA0]  }
0x85: {  	[tilespmem:s2+$0xFFFFFF90] =	vst v3;
	v3 =	vld [tilespmem:s8+$0xFFFFFF70]  }
0x86: {  	v4 =	vadd.f32 v5, v4;
	v5 =	vld [tilespmem:s20+$0xFFFFFFA0]  }
0x87: {  	v7 =	vld [tilespmem:s12+$0xFFFFFFA0];
	v0 =	vadd.f32 v2, v0  }
0x88: {  	[tilespmem:s2+$0xFFFFFF10] =	vst v4;
	v2 =	vld [tilespmem:s11+$0xFFFFFF70]  }
0x89: {  	v4 =	vld [tilespmem:s20+$0xFFFFFF20];
	[tilespmem:s2+$0x10] =	vst v0;
	v0 =	vadd.f32 v1, v6  }
0x8a: {  	v1 =	vld [tilespmem:s12+$0xFFFFFF20]  }
0x8b: {  	v6 =	vld [tilespmem:s20+$0x20];
	[tilespmem:s2+$0xA0] =	vst v0  }
0x8c: {  	v0 =	vadd.f32 v7, v5;
	v5 =	vld [tilespmem:s20+$0xB0]  }
0x8d: {  	v7 =	vld [tilespmem:s12+$0xB0];
	v2 =	vadd.f32 v2, v3  }
0x8e: {  	[tilespmem:s2+$0xFFFFFFA0] =	vst v0;
	v0 =	vld [tilespmem:s12+$0x20]  }
0x8f: {  	v1 =	vadd.f32 v1, v4;
	v3 =	vld [tilespmem:s20+$0xFFFFFFB0];
	[tilespmem:s17+$0xFFFFFF70] =	vst v2  }
0x90: {  	v2 =	vld [tilespmem:s12+$0xFFFFFFB0]  }
0x91: {  	[tilespmem:s2+$0xFFFFFF20] =	vst v1;
	v1 =	vld [tilespmem:s8+$0xFFFFFFF0]  }
0x92: {  	v4 =	vld [tilespmem:s20+$0xFFFFFF30];
	v5 =	vadd.f32 v7, v5  }
0x93: {  	v7 =	vld [tilespmem:s12+$0xFFFFFF30];
	v0 =	vadd.f32 v0, v6  }
0x94: {  	[tilespmem:s2+$0xB0] =	vst v5;
	v5 =	vld [tilespmem:s11+$0xFFFFFFF0]  }
0x95: {  	v2 =	vadd.f32 v2, v3;
	[tilespmem:s2+$0x20] =	vst v0;
	v0 =	vld [tilespmem:s20+$0xC0]  }
0x96: {  	v3 =	vld [tilespmem:s12+$0xC0]  }
0x97: {  	[tilespmem:s2+$0xFFFFFFB0] =	vst v2;
	v2 =	vld [tilespmem:s20+$0x30]  }
0x98: {  	v4 =	vadd.f32 v7, v4;
	v6 =	vld [tilespmem:s12+$0x30]  }
0x99: {  	v7 =	vld [tilespmem:s20+$0xFFFFFFC0];
	v1 =	vadd.f32 v5, v1  }
0x9a: {  	[tilespmem:s2+$0xFFFFFF30] =	vst v4;
	v4 =	vld [tilespmem:s12+$0xFFFFFFC0]  }
0x9b: {  	v5 =	vld [tilespmem:s20+$0xFFFFFF40];
	v0 =	vadd.f32 v3, v0;
	[tilespmem:s17+$0xFFFFFFF0] =	vst v1  }
0x9c: {  	v1 =	vld [tilespmem:s12+$0xFFFFFF40]  }
0x9d: {  	v2 =	vadd.f32 v6, v2;
	[tilespmem:s2+$0xC0] =	vst v0;
	v3 =	vld [tilespmem:s8+$0x70];
	s8 =	smov.u32 s20  }
0x9e: {  	v0 =	vld [tilespmem:s20+$0xD0]  }
0x9f: {  	v4 =	vadd.f32 v4, v7;
	[tilespmem:s2+$0x30] =	vst v2;
	v2 =	vld [tilespmem:s12+$0xD0]  }
0xa0: {  	v6 =	vld [tilespmem:s20+$0x40]  }
0xa1: {  	v1 =	vadd.f32 v1, v5;
	[tilespmem:s2+$0xFFFFFFC0] =	vst v4;
	v4 =	vld [tilespmem:s12+$0x40]  }
0xa2: {  	v5 =	vld [tilespmem:s20+$0xFFFFFFD0]  }
0xa3: {  	[tilespmem:s2+$0xFFFFFF40] =	vst v1;
	v1 =	vld [tilespmem:s12+$0xFFFFFFD0]  }
0xa4: {  	v7 =	vld [tilespmem:s20+$0xFFFFFF50];
	v0 =	vadd.f32 v2, v0  }
0xa5: {  	v2 =	vld [tilespmem:s12+$0xFFFFFF50]  }
0xa6: {  	v4 =	vadd.f32 v4, v6;
	[tilespmem:s2+$0xD0] =	vst v0;
	v6 =	vld [tilespmem:s11+$0x70];
	s11 =	smov.u32 s12  }
0xa7: {  	v8 =	vld [tilespmem:s20+$0xE0]  }
0xa8: {  	v0 =	vadd.f32 v1, v5;
	[tilespmem:s2+$0x40] =	vst v4;
	v5 =	vld [tilespmem:s12+$0xE0]  }
0xa9: {  	v1 =	vld [tilespmem:s20+$0x50]  }
.Ltmp2:
0xaa: {  	v2 =	vadd.f32 v2, v7;
	[tilespmem:s2+$0xFFFFFFD0] =	vst v0;
	v4 =	vld [tilespmem:s12+$0x50];
	(pc) =	sbr.rel @p2 .LBB2_6-.Ltmp2, $4  }
0xab: {  	v0 =	vld [tilespmem:s20+$0xFFFFFFE0];
	v7 =	vadd.f32 v6, v3  }
0xac: {  	[tilespmem:s2+$0xFFFFFF50] =	vst v2;
	v3 =	vld [tilespmem:s12+$0xFFFFFFE0]  }
0xad: {  	v2 =	vld [tilespmem:s20+$0xFFFFFF60];
	v6 =	vadd.f32 v5, v8;
	[tilespmem:s17+$0x70] =	vst v7;
	s17 =	smov.u32 s2  }
0xae: {  	s20 =	sadd.s32 $0x200, s20;
	v5 =	vld [tilespmem:s12+$0xFFFFFF60]  }
0xaf: {  	v1 =	vadd.f32 v4, v1;
	_ =	sdelay $0x1  }
0xb0: {  	[tilespmem:s2+$0x50] =	vst v1  }
0xb1: {  	v1 =	vld [tilespmem:s8+$0x60]  }
0xb2: {  	v55 =	vld [tilespmem:s11+$0x60]  }
0xb3: {  	[tilespmem:s2+$0xE0] =	vst v6;
	v0 =	vadd.f32 v3, v0  }
0xb4: {  	v56 =	vld [tilespmem:s8+$0xF0]  }
0xb5: {  	v57 =	vld [tilespmem:s11+$0xF0];
	v2 =	vadd.f32 v5, v2;
	[tilespmem:s2+$0xFFFFFFE0] =	vst v0  }
0xb6: {  	v60 =	vld [tilespmem:s8+$0xFFFFFFF0]  }
0xb7: {  	v61 =	vld [tilespmem:s11+$0xFFFFFFF0];
	[tilespmem:s2+$0xFFFFFF60] =	vst v2;
	v58 =	vadd.f32 v55, v1  }
0xb8: {  	v2 =	vld [tilespmem:s8+$0xFFFFFF70]  }
0xb9: {  	v59 =	vld [tilespmem:s11+$0xFFFFFF70];
	[tilespmem:s17+$0x60] =	vst v58  }
0xba: {  	v62 =	vld [tilespmem:s8+$0x70]  }
0xbb: {  	v7 =	vld [tilespmem:s11+$0x70];
	_ =	sdelay $0x1  }
0xbc: {  	v3 =	vadd.f32 v57, v56  }
0xbd: {  	v0 =	vadd.f32 v61, v60  }
.Ltmp3:
0xbe: {  	s20 =	sadd.s32 s6, s10;
	[tilespmem:s17+$0xF0] =	vst v3;
	v1 =	vadd.f32 v59, v2;
	(pc) =	sbr.rel @!p0 .LBB2_8-.Ltmp3, $4  }
0xbf: {  	s2 =	smul.u32 $0xC80, s20;
	[tilespmem:s17+$0xFFFFFFF0] =	vst v0;
	v63 =	vadd.f32 v7, v62  }
0xc0: {  	[tilespmem:s17+$0xFFFFFF70] =	vst v1  }
0xc1: {  	s2 =	sadd.s32 s4, s2;
	[tilespmem:s17+$0x70] =	vst v63  }
0xc2: {  	[hbm4b:s2+s5] =	stream.linear.scatter [tilespmem:s28], [sflag:$0x5], $0x6400, $0x38;
	[tilespmem:$0x1F600] =	vst v63  }
0xc3: {  	_ =	swait.ge [sflag:s29], $0x3400  }
.Ltmp4:
0xc4: {  	[sflag:s29] =	ssyncset.done $0x0;
	(pc) =	sbr.rel .LBB2_10-.Ltmp4, $4  }
0xc5: {  	[sflag:s29] =	ssyncadd.s32 $0xFFFFCC00  }
0xc6: {  	_ =	swait.ge [sflag:s29], $0x3000  }
0xc7: {  	[sflag:s29] =	ssyncset.done $0x0  }
0xc8: {  	[sflag:s29] =	ssyncadd.s32 $0xFFFFD000  }
.LBB2_8:
0xc9: {  	_ =	swait.ge [sflag:s15], $0x100  }
0xca: {  	[sflag:s15] =	ssyncset.done $0x0  }
0xcb: {  	s2 =	simm.s32 $0x6600;
	[sflag:s15] =	ssyncadd.s32 $0xFFFFFF00  }
0xcc: {  	[tilespmem:s2], [sflag:$0x3] =	stream.indirect.gather [hbm4b:s3+s16], $0x80, s14, s16, $0xb8;
	[tilespmem:$0x1F600] =	vst v63  }
0xcd: {  	s12 =	simm.s32 $0x6468;
	s8 =	simm.s32 $0x9A00  }
0xce: {  	[tilespmem:s8], [sflag:$0x3] =	stream.indirect.gather [hbm4b:s3+s18], $0x80, s12, s18, $0xb8;
	[tilespmem:$0x1F600] =	vst v63  }
0xcf: {  	s17 =	sor.u32 s6, s9;
	_ =	swait.ge [sflag:s29], $0x3400  }
0xd0: {  	s2 =	sadd.s32 $0x2, s17;
	[sflag:s29] =	ssyncset.done $0x0  }
.Ltmp5:
0xd1: {  	s19 =	sshll.u32 s2, $0x4;
	[sflag:s29] =	ssyncadd.s32 $0xFFFFCC00;
	(pc) =	sbr.rel @p1 .LBB2_11-.Ltmp5, $4  }
0xd2: {  	s2 =	sshll.u32 s2, $0x5;
	s8 =	sand.u32 $0x70, s19;
	_ =	swait.ge [sflag:s29], $0x3000  }
0xd3: {  	s2 =	sand.u32 $0xFFFFF00, s2;
	s8 =	sadd.s32 s7, s8;
	[sflag:s29] =	ssyncset.done $0x0  }
0xd4: {  	s20 =	simm.s32 $0x80;
	s2 =	sadd.s32 s2, s8;
	[sflag:s29] =	ssyncadd.s32 $0xFFFFD000  }
0xd5: {  	[tilespmem:s21], [sflag:$0x2] =	stream.strided.gather [hbm4b:s2+s20], $0x100, s13, s20, $0x38;
	[tilespmem:$0x1F600] =	vst v63  }
.LBB2_10:
0xd6: {  	_ =	swait.ge [sflag:s30], $0x6400  }
0xd7: {  	[sflag:s30] =	ssyncset.done $0x0  }
0xd8: {  	[sflag:s30] =	ssyncadd.s32 $0xFFFF9C00  }
.LBB2_11:
0xd9: {  	s8 =	simm.s32 $0xCB00  }
0xda: {  	s10 =	simm.s32 $0x100;
	v0 =	vld [tilespmem:s8+$0x80]  }
0xdb: {  	v1 =	vld [tilespmem:s10+$0x80];
	_ =	sdelay $0x2  }
0xdc: {  	v2 =	vld [tilespmem:s8+$0xFFFFFF80]  }
0xdd: {  	v3 =	vld [tilespmem:s10+$0xFFFFFF80]  }
0xde: {  	v4 =	vld [tilespmem:s10+$0xFFFFFF00];
	v0 =	vadd.f32 v1, v0  }
0xdf: {  	s2 =	simm.s32 $0x19300;
	v1 =	vld [tilespmem:s8+$0xFFFFFF00]  }
0xe0: {  	[tilespmem:s2+$0x80] =	vst v0  }
0xe1: {  	v0 =	vld [tilespmem:s8+$0x90]  }
0xe2: {  	v2 =	vadd.f32 v3, v2;
	v3 =	vld [tilespmem:s10+$0x90]  }
0xe3: {  	v5 =	vld [tilespmem:s8+$0x0]  }
0xe4: {  	v6 =	vld [tilespmem:s10+$0x0];
	[tilespmem:s2+$0xFFFFFF80] =	vst v2;
	v1 =	vadd.f32 v4, v1  }
0xe5: {  	v2 =	vld [tilespmem:s8+$0xFFFFFF90]  }
0xe6: {  	v4 =	vld [tilespmem:s10+$0xFFFFFF90];
	[tilespmem:s2+$0xFFFFFF00] =	vst v1  }
0xe7: {  	v1 =	vld [tilespmem:s8+$0xFFFFFF10];
	v0 =	vadd.f32 v3, v0  }
0xe8: {  	v3 =	vld [tilespmem:s10+$0xFFFFFF10]  }
0xe9: {  	v5 =	vadd.f32 v6, v5;
	[tilespmem:s2+$0x90] =	vst v0  }
0xea: {  	v0 =	vld [tilespmem:s8+$0xA0]  }
0xeb: {  	[tilespmem:s2+$0x0] =	vst v5;
	v2 =	vadd.f32 v4, v2;
	v4 =	vld [tilespmem:s10+$0xA0]  }
0xec: {  	v5 =	vld [tilespmem:s8+$0x10]  }
0xed: {  	v6 =	vld [tilespmem:s10+$0x10];
	[tilespmem:s2+$0xFFFFFF90] =	vst v2;
	v1 =	vadd.f32 v3, v1  }
0xee: {  	v2 =	vld [tilespmem:s8+$0xFFFFFFA0]  }
0xef: {  	v3 =	vld [tilespmem:s10+$0xFFFFFFA0];
	[tilespmem:s2+$0xFFFFFF10] =	vst v1  }
0xf0: {  	v1 =	vld [tilespmem:s8+$0xFFFFFF20];
	v0 =	vadd.f32 v4, v0  }
0xf1: {  	v4 =	vld [tilespmem:s10+$0xFFFFFF20]  }
0xf2: {  	v5 =	vadd.f32 v6, v5;
	[tilespmem:s2+$0xA0] =	vst v0  }
0xf3: {  	v0 =	vld [tilespmem:s8+$0xB0]  }
0xf4: {  	[tilespmem:s2+$0x10] =	vst v5;
	v2 =	vadd.f32 v3, v2;
	v3 =	vld [tilespmem:s10+$0xB0]  }
0xf5: {  	v5 =	vld [tilespmem:s8+$0x20]  }
0xf6: {  	[tilespmem:s2+$0xFFFFFFA0] =	vst v2;
	v2 =	vld [tilespmem:s10+$0x20];
	v1 =	vadd.f32 v4, v1  }
0xf7: {  	v4 =	vld [tilespmem:s8+$0xFFFFFFB0]  }
0xf8: {  	v6 =	vld [tilespmem:s10+$0xFFFFFFB0];
	[tilespmem:s2+$0xFFFFFF20] =	vst v1  }
0xf9: {  	v1 =	vld [tilespmem:s8+$0xFFFFFF30];
	v0 =	vadd.f32 v3, v0  }
0xfa: {  	v3 =	vld [tilespmem:s10+$0xFFFFFF30]  }
0xfb: {  	v2 =	vadd.f32 v2, v5;
	[tilespmem:s2+$0xB0] =	vst v0  }
0xfc: {  	v0 =	vld [tilespmem:s8+$0xC0]  }
0xfd: {  	v4 =	vadd.f32 v6, v4;
	[tilespmem:s2+$0x20] =	vst v2;
	v2 =	vld [tilespmem:s10+$0xC0]  }
0xfe: {  	v5 =	vld [tilespmem:s8+$0x30]  }
0xff: {  	[tilespmem:s2+$0xFFFFFFB0] =	vst v4;
	v1 =	vadd.f32 v3, v1;
	v3 =	vld [tilespmem:s10+$0x30]  }
0x100: {  	v4 =	vld [tilespmem:s8+$0xFFFFFFC0]  }
0x101: {  	[tilespmem:s2+$0xFFFFFF30] =	vst v1;
	v1 =	vld [tilespmem:s10+$0xFFFFFFC0]  }
0x102: {  	v6 =	vld [tilespmem:s8+$0xFFFFFF40];
	v0 =	vadd.f32 v2, v0  }
0x103: {  	v2 =	vld [tilespmem:s10+$0xFFFFFF40]  }
0x104: {  	v3 =	vadd.f32 v3, v5;
	[tilespmem:s2+$0xC0] =	vst v0  }
0x105: {  	v0 =	vld [tilespmem:s8+$0xD0]  }
0x106: {  	v1 =	vadd.f32 v1, v4;
	[tilespmem:s2+$0x30] =	vst v3;
	v3 =	vld [tilespmem:s10+$0xD0]  }
0x107: {  	v4 =	vld [tilespmem:s8+$0x40]  }
0x108: {  	v2 =	vadd.f32 v2, v6;
	[tilespmem:s2+$0xFFFFFFC0] =	vst v1;
	v1 =	vld [tilespmem:s10+$0x40]  }
0x109: {  	v5 =	vld [tilespmem:s8+$0xFFFFFFD0]  }
0x10a: {  	[tilespmem:s2+$0xFFFFFF40] =	vst v2;
	v2 =	vld [tilespmem:s10+$0xFFFFFFD0]  }
0x10b: {  	v6 =	vld [tilespmem:s8+$0xFFFFFF50];
	v0 =	vadd.f32 v3, v0  }
0x10c: {  	v3 =	vld [tilespmem:s10+$0xFFFFFF50]  }
0x10d: {  	v1 =	vadd.f32 v1, v4;
	[tilespmem:s2+$0xD0] =	vst v0  }
0x10e: {  	v7 =	vld [tilespmem:s8+$0xE0]  }
0x10f: {  	v0 =	vadd.f32 v2, v5;
	v5 =	vld [tilespmem:s10+$0xE0];
	[tilespmem:s2+$0x40] =	vst v1  }
0x110: {  	v1 =	vld [tilespmem:s8+$0x50]  }
0x111: {  	v2 =	vadd.f32 v3, v6;
	[tilespmem:s2+$0xFFFFFFD0] =	vst v0;
	v4 =	vld [tilespmem:s10+$0x50]  }
0x112: {  	v0 =	vld [tilespmem:s8+$0xFFFFFFE0]  }
0x113: {  	v3 =	vld [tilespmem:s10+$0xFFFFFFE0];
	[tilespmem:s2+$0xFFFFFF50] =	vst v2  }
0x114: {  	s17 =	simm.s32 $0x0;
	v2 =	vld [tilespmem:s8+$0xFFFFFF60];
	v6 =	vadd.f32 v5, v7  }
0x115: {  	s19 =	simm.s32 $0xCD00;
	s12 =	simm.s32 $0x100;
	s11 =	simm.s32 $0x19300;
	v5 =	vld [tilespmem:s10+$0xFFFFFF60]  }
.LBB2_12:
0x116: {  	v7 =	vld [tilespmem:s19+$0x80];
	v1 =	vadd.f32 v4, v1;
	[tilespmem:s2+$0xE0] =	vst v6  }
0x117: {  	v4 =	vld [tilespmem:s8+$0xF0]  }
0x118: {  	s12 =	sadd.s32 $0x200, s12;
	v0 =	vadd.f32 v3, v0;
	[tilespmem:s2+$0x50] =	vst v1;
	v1 =	vld [tilespmem:s10+$0xF0]  }
0x119: {  	v3 =	vld [tilespmem:s12+$0x80]  }
0x11a: {  	v6 =	vld [tilespmem:s12+$0xFFFFFF00];
	v2 =	vadd.f32 v5, v2;
	[tilespmem:s2+$0xFFFFFFE0] =	vst v0  }
0x11b: {  	v0 =	vld [tilespmem:s19+$0xFFFFFF80]  }
0x11c: {  	v5 =	vld [tilespmem:s12+$0xFFFFFF80];
	[tilespmem:s2+$0xFFFFFF60] =	vst v2  }
0x11d: {  	v2 =	vld [tilespmem:s19+$0x0];
	v1 =	vadd.f32 v1, v4  }
0x11e: {  	v4 =	vld [tilespmem:s12+$0x0];
	v3 =	vadd.f32 v3, v7  }
0x11f: {  	s2 =	sadd.s32 $0x200, s2;
	v7 =	vld [tilespmem:s19+$0xFFFFFF00];
	[tilespmem:s11+$0xF0] =	vst v1  }
0x120: {  	s17 =	sadd.s32 $0x4, s17;
	[tilespmem:s2+$0x80] =	vst v3;
	v1 =	vld [tilespmem:s8+$0x60]  }
0x121: {  	p0 =	slt.u32 s17, $0xC4;
	v0 =	vadd.f32 v5, v0;
	v3 =	vld [tilespmem:s19+$0x90]  }
0x122: {  	v5 =	vld [tilespmem:s12+$0x90]  }
0x123: {  	[tilespmem:s2+$0xFFFFFF80] =	vst v0;
	v0 =	vadd.f32 v4, v2;
	v2 =	vld [tilespmem:s10+$0x60]  }
0x124: {  	v4 =	vadd.f32 v6, v7;
	v6 =	vld [tilespmem:s19+$0xFFFFFF90]  }
0x125: {  	v7 =	vld [tilespmem:s12+$0xFFFFFF90];
	[tilespmem:s2+$0x0] =	vst v0  }
0x126: {  	[tilespmem:s2+$0xFFFFFF00] =	vst v4;
	v0 =	vld [tilespmem:s19+$0x10]  }
0x127: {  	v4 =	vld [tilespmem:s19+$0xFFFFFF10];
	v3 =	vadd.f32 v5, v3  }
0x128: {  	v5 =	vld [tilespmem:s12+$0xFFFFFF10];
	v1 =	vadd.f32 v2, v1  }
0x129: {  	v2 =	vld [tilespmem:s12+$0x10];
	[tilespmem:s2+$0x90] =	vst v3  }
0x12a: {  	v3 =	vadd.f32 v7, v6;
	v6 =	vld [tilespmem:s19+$0xA0];
	[tilespmem:s11+$0x60] =	vst v1  }
0x12b: {  	v1 =	vld [tilespmem:s12+$0xA0]  }
0x12c: {  	[tilespmem:s2+$0xFFFFFF90] =	vst v3;
	v3 =	vld [tilespmem:s8+$0xFFFFFF70]  }
0x12d: {  	v4 =	vadd.f32 v5, v4;
	v5 =	vld [tilespmem:s19+$0xFFFFFFA0]  }
0x12e: {  	v7 =	vld [tilespmem:s12+$0xFFFFFFA0];
	v0 =	vadd.f32 v2, v0  }
0x12f: {  	[tilespmem:s2+$0xFFFFFF10] =	vst v4;
	v2 =	vld [tilespmem:s10+$0xFFFFFF70]  }
0x130: {  	v4 =	vld [tilespmem:s19+$0xFFFFFF20];
	[tilespmem:s2+$0x10] =	vst v0;
	v0 =	vadd.f32 v1, v6  }
0x131: {  	v1 =	vld [tilespmem:s12+$0xFFFFFF20]  }
0x132: {  	v6 =	vld [tilespmem:s19+$0x20];
	[tilespmem:s2+$0xA0] =	vst v0  }
0x133: {  	v0 =	vadd.f32 v7, v5;
	v5 =	vld [tilespmem:s19+$0xB0]  }
0x134: {  	v7 =	vld [tilespmem:s12+$0xB0];
	v2 =	vadd.f32 v2, v3  }
0x135: {  	[tilespmem:s2+$0xFFFFFFA0] =	vst v0;
	v0 =	vld [tilespmem:s12+$0x20]  }
0x136: {  	v1 =	vadd.f32 v1, v4;
	v3 =	vld [tilespmem:s19+$0xFFFFFFB0];
	[tilespmem:s11+$0xFFFFFF70] =	vst v2  }
0x137: {  	v2 =	vld [tilespmem:s12+$0xFFFFFFB0]  }
0x138: {  	[tilespmem:s2+$0xFFFFFF20] =	vst v1;
	v1 =	vld [tilespmem:s8+$0xFFFFFFF0]  }
0x139: {  	v4 =	vld [tilespmem:s19+$0xFFFFFF30];
	v5 =	vadd.f32 v7, v5  }
0x13a: {  	v7 =	vld [tilespmem:s12+$0xFFFFFF30];
	v0 =	vadd.f32 v0, v6  }
0x13b: {  	[tilespmem:s2+$0xB0] =	vst v5;
	v5 =	vld [tilespmem:s10+$0xFFFFFFF0]  }
0x13c: {  	v2 =	vadd.f32 v2, v3;
	[tilespmem:s2+$0x20] =	vst v0;
	v0 =	vld [tilespmem:s19+$0xC0]  }
0x13d: {  	v3 =	vld [tilespmem:s12+$0xC0]  }
0x13e: {  	[tilespmem:s2+$0xFFFFFFB0] =	vst v2;
	v2 =	vld [tilespmem:s19+$0x30]  }
0x13f: {  	v4 =	vadd.f32 v7, v4;
	v6 =	vld [tilespmem:s12+$0x30]  }
0x140: {  	v7 =	vld [tilespmem:s19+$0xFFFFFFC0];
	v1 =	vadd.f32 v5, v1  }
0x141: {  	[tilespmem:s2+$0xFFFFFF30] =	vst v4;
	v4 =	vld [tilespmem:s12+$0xFFFFFFC0]  }
0x142: {  	v5 =	vld [tilespmem:s19+$0xFFFFFF40];
	v0 =	vadd.f32 v3, v0;
	[tilespmem:s11+$0xFFFFFFF0] =	vst v1  }
0x143: {  	v1 =	vld [tilespmem:s12+$0xFFFFFF40]  }
0x144: {  	v2 =	vadd.f32 v6, v2;
	[tilespmem:s2+$0xC0] =	vst v0;
	v3 =	vld [tilespmem:s8+$0x70];
	s8 =	smov.u32 s19  }
0x145: {  	v0 =	vld [tilespmem:s19+$0xD0]  }
0x146: {  	v4 =	vadd.f32 v4, v7;
	[tilespmem:s2+$0x30] =	vst v2;
	v2 =	vld [tilespmem:s12+$0xD0]  }
0x147: {  	v6 =	vld [tilespmem:s19+$0x40]  }
0x148: {  	v1 =	vadd.f32 v1, v5;
	[tilespmem:s2+$0xFFFFFFC0] =	vst v4;
	v4 =	vld [tilespmem:s12+$0x40]  }
0x149: {  	v5 =	vld [tilespmem:s19+$0xFFFFFFD0]  }
0x14a: {  	[tilespmem:s2+$0xFFFFFF40] =	vst v1;
	v1 =	vld [tilespmem:s12+$0xFFFFFFD0]  }
0x14b: {  	v7 =	vld [tilespmem:s19+$0xFFFFFF50];
	v0 =	vadd.f32 v2, v0  }
0x14c: {  	v2 =	vld [tilespmem:s12+$0xFFFFFF50]  }
0x14d: {  	v4 =	vadd.f32 v4, v6;
	[tilespmem:s2+$0xD0] =	vst v0;
	v6 =	vld [tilespmem:s10+$0x70];
	s10 =	smov.u32 s12  }
0x14e: {  	v8 =	vld [tilespmem:s19+$0xE0]  }
0x14f: {  	v0 =	vadd.f32 v1, v5;
	[tilespmem:s2+$0x40] =	vst v4;
	v5 =	vld [tilespmem:s12+$0xE0]  }
0x150: {  	v1 =	vld [tilespmem:s19+$0x50]  }
.Ltmp6:
0x151: {  	v2 =	vadd.f32 v2, v7;
	[tilespmem:s2+$0xFFFFFFD0] =	vst v0;
	v4 =	vld [tilespmem:s12+$0x50];
	(pc) =	sbr.rel @p0 .LBB2_12-.Ltmp6, $4  }
0x152: {  	v0 =	vld [tilespmem:s19+$0xFFFFFFE0];
	v7 =	vadd.f32 v6, v3  }
0x153: {  	[tilespmem:s2+$0xFFFFFF50] =	vst v2;
	v3 =	vld [tilespmem:s12+$0xFFFFFFE0]  }
0x154: {  	v2 =	vld [tilespmem:s19+$0xFFFFFF60];
	v6 =	vadd.f32 v5, v8;
	[tilespmem:s11+$0x70] =	vst v7;
	s11 =	smov.u32 s2  }
0x155: {  	s19 =	sadd.s32 $0x200, s19;
	v5 =	vld [tilespmem:s12+$0xFFFFFF60]  }
0x156: {  	v1 =	vadd.f32 v4, v1;
	_ =	sdelay $0x1  }
0x157: {  	[tilespmem:s2+$0x50] =	vst v1  }
0x158: {  	v1 =	vld [tilespmem:s8+$0x60]  }
0x159: {  	v55 =	vld [tilespmem:s10+$0x60]  }
0x15a: {  	[tilespmem:s2+$0xE0] =	vst v6;
	v0 =	vadd.f32 v3, v0  }
0x15b: {  	v56 =	vld [tilespmem:s8+$0xF0]  }
0x15c: {  	v57 =	vld [tilespmem:s10+$0xF0];
	v2 =	vadd.f32 v5, v2;
	[tilespmem:s2+$0xFFFFFFE0] =	vst v0  }
0x15d: {  	v60 =	vld [tilespmem:s8+$0xFFFFFFF0]  }
0x15e: {  	v61 =	vld [tilespmem:s10+$0xFFFFFFF0];
	[tilespmem:s2+$0xFFFFFF60] =	vst v2;
	v58 =	vadd.f32 v55, v1  }
0x15f: {  	v2 =	vld [tilespmem:s8+$0xFFFFFF70]  }
0x160: {  	v59 =	vld [tilespmem:s10+$0xFFFFFF70];
	[tilespmem:s11+$0x60] =	vst v58  }
0x161: {  	v62 =	vld [tilespmem:s8+$0x70]  }
0x162: {  	v7 =	vld [tilespmem:s10+$0x70];
	_ =	sdelay $0x1  }
0x163: {  	s1 =	sadd.s32 $0x1, s1;
	v3 =	vadd.f32 v57, v56  }
0x164: {  	p0 =	sne.s32 s1, $0x40;
	v0 =	vadd.f32 v61, v60  }
.Ltmp7:
0x165: {  	s20 =	sadd.s32 s6, s9;
	[tilespmem:s11+$0xF0] =	vst v3;
	v1 =	vadd.f32 v59, v2;
	(pc) =	sbr.rel @p0 .LBB2_2-.Ltmp7, $4  }
0x166: {  	s2 =	smul.u32 $0xC80, s20;
	[tilespmem:s11+$0xFFFFFFF0] =	vst v0;
	v63 =	vadd.f32 v7, v62  }
0x167: {  	[tilespmem:s11+$0xFFFFFF70] =	vst v1  }
0x168: {  	s2 =	sadd.s32 s4, s2;
	[tilespmem:s11+$0x70] =	vst v63  }
0x169: {  	[hbm4b:s2+s5] =	stream.linear.scatter [tilespmem:s31], [sflag:$0x6], $0x6400, $0x38;
	[tilespmem:$0x1F600] =	vst v63  }
0x16a: {  	_ =	swait.ge [sflag:s0], $0x6400  }
0x16b: {  	[sflag:s0] =	ssyncset.done $0x0  }
0x16c: {  	[sflag:s0] =	ssyncadd.s32 $0xFFFF9C00  }
0x16d: {  	_ =	swait.ge [sflag:s30], $0x6400  }
0x16e: {  	s2 =	rddreg [dreg:$0x8]  }
0x16f: {  	s1 =	rddreg [dreg:$0x7];
	s2 =	sadd.s32 $0x1, s2  }
0x170: {  	p0 =	sne.s32 s2, s1  }
.Ltmp8:
0x171: {  	_ = 	snop;
	(pc) =	sbr.rel @p0 .LBB2_1-.Ltmp8, $3  }
0x172: {  	_ =	sdelay $0x1  }
0x173: {  	[sflag:s30] =	ssyncset.done $0x0  }
0x174: {  	[sflag:s30] =	ssyncadd.s32 $0xFFFF9C00  }
0x175: {  	_ =	sfence.sel $0x180000  }
0x176: {  	[bflag:$0x0] =	sbarrier.arrive $0xFFFF  }
0x177: {  	_ =	strace $0x90000047  }
0x178: {  	s0 =	stileid.u32;
	[bflag:$0x2] =	sbarrier.arrive $0xFFFF  }
0x179: {  	p0 =	sne.s32 s0, $0x0;
	s0 =	rddreg [dreg:$0x4]  }
0x17a: {  	s0 =	sadd.s32 @!p0 $0x100000, s0  }
0x17b: {  	[sflag:s0] =	ssyncadd.tile.s32 @!p0 $0x1;
	_ =	shalt  }
.Lfunc_end2:
_tile_overlayer_lowered:
.L_overlay_start_2:
0x17c: {  	(tag) =	ssettag $0x2  }
0x17d: {  	s0 =	rddreg [dreg:$0x0];
	s2 =	stileid.u32  }
0x17e: {  	s1 =	rddreg [dreg:$0x1];
	p0 =	sne.s32 s2, $0x0  }
0x17f: {  	s3 =	rddreg [dreg:$0x2];
	[bflag:$0x3] =	sbarrier.arrive $0xFFFF;
	s2 =	simm.s32 @!p0 $0x1C07  }
0x180: {  	[timem:s3], [sflag:s2] =	dma.local @!p0 [hbm:s0], s1  }
0x181: {  	s0 =	simm.s32 @!p0 $0x7  }
0x182: {  	_ =	swait.ge @!p0 [sflag:s0], s1  }
0x183: {  	s1 =	ssub.s32 @!p0 $0x0, s1;
	[sflag:s0] =	ssyncset.done @!p0 $0x0  }
0x184: {  	[sflag:s0] =	ssyncadd.s32 @!p0 s1  }
0x185: {  	[bflag:$0x3] =	sbarrier.arrive $0xFFFF  }
0x186: {  	_ =	shalt  }

</sc_bundles>
